<compile_context>
chip_gen: v7x
topology: tpu7x:2x2x1
jax: 0.10.2.dev20260603
libtpu: 0.0.44.dev20260713+nightly
codegen_flags: <defaults>
</compile_context>

<pallas_src>
import functools

import jax
import jax.numpy as jnp
from jax import lax
from jax.experimental import pallas as pl
from jax.experimental.pallas import tpu as pltpu
from jax.experimental.pallas import tpu_sc as plsc

VOCAB = 1000000
HIDDEN = 64
HPAD = 128

NC = 2
NS = 16
NW = NC * NS

B_TOTAL = 4096 * 200
B_PER_W = B_TOTAL // NW
CHUNK = 400
N_CHUNKS = B_PER_W // CHUNK
NBUF = 4
K = 3
NQ = N_CHUNKS // NBUF

_mesh = plsc.VectorSubcoreMesh(core_axis_name="c", subcore_axis_name="s")


@functools.partial(
    pl.kernel,
    mesh=_mesh,
    compiler_params=pltpu.CompilerParams(use_tc_tiling_on_sc=False),
    out_type=jax.ShapeDtypeStruct((B_TOTAL // 200, 200, HPAD), jnp.float32),
    scratch_types=[
        pltpu.VMEM((B_PER_W,), jnp.int32),
        pltpu.VMEM((NBUF, 2, 200, HIDDEN), jnp.float32),
        pltpu.SemaphoreType.DMA,
        pltpu.SemaphoreType.DMA,
    ],
)
def _embed(idx_hbm, table_hbm, out_hbm, idx_v, rows_v, gsem, ssem):
    wid = lax.axis_index("s") * NC + lax.axis_index("c")
    base = pl.multiple_of(wid * B_PER_W, B_PER_W)
    pltpu.sync_copy(idx_hbm.at[pl.ds(base, B_PER_W)], idx_v)

    def fire_gather(j, b):
        for tj in range(2):
            off = pl.multiple_of(j * CHUNK + tj * 200, 8)
            pltpu.async_copy(
                table_hbm.at[idx_v.at[pl.ds(off, 200)]], rows_v.at[b, tj], gsem
            )

    def wait_gather(b):
        for tj in range(2):
            pltpu.make_async_copy(
                table_hbm.at[idx_v.at[pl.ds(0, 200)]], rows_v.at[b, tj], gsem
            ).wait()

    def fire_store(j, b):
        snt = pl.multiple_of((base + j * CHUNK) // 200, 2)
        pltpu.async_copy(
            rows_v.at[b], out_hbm.at[pl.ds(snt, 2), :, pl.ds(0, HIDDEN)], ssem
        )

    def wait_store():
        pltpu.make_async_copy(
            rows_v.at[0], out_hbm.at[pl.ds(0, 2), :, pl.ds(0, HIDDEN)], ssem
        ).wait()

    for j in range(K):
        fire_gather(j, j)

    for b in range(NBUF):
        if b >= 1:
            wait_store()
        wait_gather(b)
        fire_store(b, b)
        fire_gather(b + K, (b + K) % NBUF)

    def round_(o, _):
        for b in range(NBUF):
            i = o * NBUF + b
            wait_store()
            wait_gather(b)
            fire_store(i, b)
            fire_gather(i + K, (b + K) % NBUF)
        return ()

    lax.fori_loop(1, NQ - 1, round_, ())

    for b in range(NBUF):
        i = (NQ - 1) * NBUF + b
        wait_store()
        wait_gather(b)
        fire_store(i, b)
        if i + K < N_CHUNKS:
            fire_gather(i + K, (b + K) % NBUF)
    wait_store()


def kernel(input_ids, embed_tokens):
    flat = input_ids.reshape(-1).astype(jnp.int32) * 2
    padded = jnp.pad(embed_tokens, ((0, 0), (0, HPAD - HIDDEN)))
    out = _embed(flat, padded.reshape(2 * VOCAB, HIDDEN))
    return out[:, :, :HIDDEN]

# --- scband reference (transcript-rebuilt; emitter-appended) ---
"""Pipeline reference for scband-token-embedding-53231824666823 (READ-ONLY COPY).

The authoritative reference and input builder live on the scoring server;
editing this copy changes nothing except your own understanding.
"""

import jax, jax.numpy as jnp
import numpy as np

VOCAB = 1000000
HIDDEN = 64

def setup_inputs(seed: int = 0) -> dict:
    key = jax.random.key(seed)
    k_ids, k_tab = jax.random.split(key)
    input_ids = jax.random.randint(k_ids, (4096, 200), 0, VOCAB, dtype=jnp.int64 if jax.config.jax_enable_x64 else jnp.int32)
    embed_tokens = jax.random.normal(k_tab, (VOCAB, HIDDEN), dtype=jnp.float32) * 0.02
    return {"input_ids": input_ids, "embed_tokens": embed_tokens}

def reference(input_ids, embed_tokens):
    # nn.Embedding lookup: table[indices]
    return jnp.take(embed_tokens, input_ids, axis=0)

if __name__ == "__main__":
    import jax
    _d = setup_inputs()
    print(jax.jit(kernel)(*tuple(_d.values())))

</pallas_src>

<mosaic_0001>
#map = affine_map<(d0, d1) -> (0)>
#map1 = affine_map<(d0, d1) -> (0, 0)>
#map2 = affine_map<(d0, d1) -> (0, 0, 0)>
module attributes {stable_mosaic.version = 14 : i64} {
  func.func @_embed(%arg0: i32, %arg1: i32, %arg2: memref<819200xi32, #tpu.memory_space<hbm>>, %arg3: memref<2000000x64xf32, #tpu.memory_space<hbm>>, %arg4: memref<4096x200x128xf32, #tpu.memory_space<hbm>>, %arg5: memref<25600xi32, #tpu.memory_space<vmem>>, %arg6: memref<4x2x200x64xf32, #tpu.memory_space<vmem>>, %arg7: memref<!tpu.dma_semaphore, #tpu.memory_space<semaphore_mem>>, %arg8: memref<!tpu.dma_semaphore, #tpu.memory_space<semaphore_mem>>) attributes {dimension_semantics = [#tpu.dimension_semantics<core_parallel>, #tpu.dimension_semantics<subcore_parallel>], iteration_bounds = array<i64: 2, 16>, scalar_prefetch = 0 : i64, scratch_operands = 4 : i64, tpu.core_type = #tpu.core_type<sc_vector_subcore>, window_params = [{transform_indices = #map}, {transform_indices = #map1}, {transform_indices = #map2}]} {
    %mul3A = arith.constant 2 : i32
    %mul3A_0 = arith.muli %arg1, %mul3A : i32
    %add3A = arith.addi %mul3A_0, %arg0 : i32
    %mul3A_1 = arith.constant 25600 : i32
    %mul3A_2 = arith.muli %add3A, %mul3A_1 : i32
    %multiple_of3A = tpu.assume_multiple %mul3A_2, 25600 : i32
    "tpu.region"() ({
      %run_scoped3A = tpu.sem_alloc : memref<!tpu.dma_semaphore, #tpu.memory_space<semaphore_mem>>
      %dma_start3A_869 = tpu.memref_slice %arg2[%multiple_of3A] : memref<819200xi32, #tpu.memory_space<hbm>> -> memref<25600xi32, #tpu.memory_space<hbm>>
      %dma_start3A_870 = tpu.memref_slice %arg2[%multiple_of3A] : memref<819200xi32, #tpu.memory_space<hbm>> -> memref<25600xi32, #tpu.memory_space<hbm>>
      tpu.enqueue_dma source(%dma_start3A_870 : memref<25600xi32, #tpu.memory_space<hbm>>) target(%arg5 : memref<25600xi32, #tpu.memory_space<vmem>>) target_semaphore(%run_scoped3A : memref<!tpu.dma_semaphore, #tpu.memory_space<semaphore_mem>>)
      %dma_wait3A_871 = tpu.memref_slice %arg2[%multiple_of3A] : memref<819200xi32, #tpu.memory_space<hbm>> -> memref<25600xi32, #tpu.memory_space<hbm>>
      %dma_wait3A_872 = tpu.memref_slice %arg2[%multiple_of3A] : memref<819200xi32, #tpu.memory_space<hbm>> -> memref<25600xi32, #tpu.memory_space<hbm>>
      tpu.wait_dma2 semaphore(%run_scoped3A : memref<!tpu.dma_semaphore, #tpu.memory_space<semaphore_mem>>) src(%dma_wait3A_872 : memref<25600xi32, #tpu.memory_space<hbm>>) dst(%arg5 : memref<25600xi32, #tpu.memory_space<vmem>>)
      tpu.yield
    }) : () -> ()
    %multiple_of3A_3 = arith.constant 0 : i32
    %multiple_of3A_4 = tpu.assume_multiple %multiple_of3A_3, 8 : i32
    %dma_start3A = arith.constant 0 : i32
    %dma_start3A_5 = arith.constant 0 : i32
    %dma_start3A_6 = arith.constant 0 : i32
    %dma_start3A_7 = arith.constant 0 : i32
    %dma_start3A_8 = tpu.memref_slice %arg6[%dma_start3A, %dma_start3A_5, %dma_start3A_6, %dma_start3A_7] : memref<4x2x200x64xf32, #tpu.memory_space<vmem>> -> memref<1x1x200x64xf32, #tpu.memory_space<vmem>>
    %dma_start3A_9 = tpu.memref_squeeze %dma_start3A_8 : memref<1x1x200x64xf32, #tpu.memory_space<vmem>> -> memref<200x64xf32, #tpu.memory_space<vmem>>
    %dma_start3A_10 = tpu.memref_slice %arg5[%multiple_of3A_4] : memref<25600xi32, #tpu.memory_space<vmem>> -> memref<200xi32, #tpu.memory_space<vmem>>
    %dma_start3A_11 = arith.constant 0 : i32
    %dma_start3A_12 = arith.constant 0 : i32
    %dma_start3A_13 = tpu.memref_slice %arg3[%dma_start3A_11, %dma_start3A_12] : memref<2000000x64xf32, #tpu.memory_space<hbm>> -> memref<2000000x64xf32, #tpu.memory_space<hbm>>
    tpu.enqueue_indirect_dma source(%dma_start3A_13 : memref<2000000x64xf32, #tpu.memory_space<hbm>>) target(%dma_start3A_9 : memref<200x64xf32, #tpu.memory_space<vmem>>) offsets(%dma_start3A_10 : memref<200xi32, #tpu.memory_space<vmem>>) semaphore(%arg7 : memref<!tpu.dma_semaphore, #tpu.memory_space<semaphore_mem>>)
    %multiple_of3A_14 = arith.constant 200 : i32
    %multiple_of3A_15 = tpu.assume_multiple %multiple_of3A_14, 8 : i32
    %dma_start3A_16 = arith.constant 0 : i32
    %dma_start3A_17 = arith.constant 1 : i32
    %dma_start3A_18 = arith.constant 0 : i32
    %dma_start3A_19 = arith.constant 0 : i32
    %dma_start3A_20 = tpu.memref_slice %arg6[%dma_start3A_16, %dma_start3A_17, %dma_start3A_18, %dma_start3A_19] : memref<4x2x200x64xf32, #tpu.memory_space<vmem>> -> memref<1x1x200x64xf32, #tpu.memory_space<vmem>>
    %dma_start3A_21 = tpu.memref_squeeze %dma_start3A_20 : memref<1x1x200x64xf32, #tpu.memory_space<vmem>> -> memref<200x64xf32, #tpu.memory_space<vmem>>
    %dma_start3A_22 = tpu.memref_slice %arg5[%multiple_of3A_15] : memref<25600xi32, #tpu.memory_space<vmem>> -> memref<200xi32, #tpu.memory_space<vmem>>
    %dma_start3A_23 = arith.constant 0 : i32
    %dma_start3A_24 = arith.constant 0 : i32
    %dma_start3A_25 = tpu.memref_slice %arg3[%dma_start3A_23, %dma_start3A_24] : memref<2000000x64xf32, #tpu.memory_space<hbm>> -> memref<2000000x64xf32, #tpu.memory_space<hbm>>
    tpu.enqueue_indirect_dma source(%dma_start3A_25 : memref<2000000x64xf32, #tpu.memory_space<hbm>>) target(%dma_start3A_21 : memref<200x64xf32, #tpu.memory_space<vmem>>) offsets(%dma_start3A_22 : memref<200xi32, #tpu.memory_space<vmem>>) semaphore(%arg7 : memref<!tpu.dma_semaphore, #tpu.memory_space<semaphore_mem>>)
    %multiple_of3A_26 = arith.constant 400 : i32
    %multiple_of3A_27 = tpu.assume_multiple %multiple_of3A_26, 8 : i32
    %dma_start3A_28 = arith.constant 1 : i32
    %dma_start3A_29 = arith.constant 0 : i32
    %dma_start3A_30 = arith.constant 0 : i32
    %dma_start3A_31 = arith.constant 0 : i32
    %dma_start3A_32 = tpu.memref_slice %arg6[%dma_start3A_28, %dma_start3A_29, %dma_start3A_30, %dma_start3A_31] : memref<4x2x200x64xf32, #tpu.memory_space<vmem>> -> memref<1x1x200x64xf32, #tpu.memory_space<vmem>>
    %dma_start3A_33 = tpu.memref_squeeze %dma_start3A_32 : memref<1x1x200x64xf32, #tpu.memory_space<vmem>> -> memref<200x64xf32, #tpu.memory_space<vmem>>
    %dma_start3A_34 = tpu.memref_slice %arg5[%multiple_of3A_27] : memref<25600xi32, #tpu.memory_space<vmem>> -> memref<200xi32, #tpu.memory_space<vmem>>
    %dma_start3A_35 = arith.constant 0 : i32
    %dma_start3A_36 = arith.constant 0 : i32
    %dma_start3A_37 = tpu.memref_slice %arg3[%dma_start3A_35, %dma_start3A_36] : memref<2000000x64xf32, #tpu.memory_space<hbm>> -> memref<2000000x64xf32, #tpu.memory_space<hbm>>
    tpu.enqueue_indirect_dma source(%dma_start3A_37 : memref<2000000x64xf32, #tpu.memory_space<hbm>>) target(%dma_start3A_33 : memref<200x64xf32, #tpu.memory_space<vmem>>) offsets(%dma_start3A_34 : memref<200xi32, #tpu.memory_space<vmem>>) semaphore(%arg7 : memref<!tpu.dma_semaphore, #tpu.memory_space<semaphore_mem>>)
    %multiple_of3A_38 = arith.constant 600 : i32
    %multiple_of3A_39 = tpu.assume_multiple %multiple_of3A_38, 8 : i32
    %dma_start3A_40 = arith.constant 1 : i32
    %dma_start3A_41 = arith.constant 1 : i32
    %dma_start3A_42 = arith.constant 0 : i32
    %dma_start3A_43 = arith.constant 0 : i32
    %dma_start3A_44 = tpu.memref_slice %arg6[%dma_start3A_40, %dma_start3A_41, %dma_start3A_42, %dma_start3A_43] : memref<4x2x200x64xf32, #tpu.memory_space<vmem>> -> memref<1x1x200x64xf32, #tpu.memory_space<vmem>>
    %dma_start3A_45 = tpu.memref_squeeze %dma_start3A_44 : memref<1x1x200x64xf32, #tpu.memory_space<vmem>> -> memref<200x64xf32, #tpu.memory_space<vmem>>
    %dma_start3A_46 = tpu.memref_slice %arg5[%multiple_of3A_39] : memref<25600xi32, #tpu.memory_space<vmem>> -> memref<200xi32, #tpu.memory_space<vmem>>
    %dma_start3A_47 = arith.constant 0 : i32
    %dma_start3A_48 = arith.constant 0 : i32
    %dma_start3A_49 = tpu.memref_slice %arg3[%dma_start3A_47, %dma_start3A_48] : memref<2000000x64xf32, #tpu.memory_space<hbm>> -> memref<2000000x64xf32, #tpu.memory_space<hbm>>
    tpu.enqueue_indirect_dma source(%dma_start3A_49 : memref<2000000x64xf32, #tpu.memory_space<hbm>>) target(%dma_start3A_45 : memref<200x64xf32, #tpu.memory_space<vmem>>) offsets(%dma_start3A_46 : memref<200xi32, #tpu.memory_space<vmem>>) semaphore(%arg7 : memref<!tpu.dma_semaphore, #tpu.memory_space<semaphore_mem>>)
    %multiple_of3A_50 = arith.constant 800 : i32
    %multiple_of3A_51 = tpu.assume_multiple %multiple_of3A_50, 8 : i32
    %dma_start3A_52 = arith.constant 2 : i32
    %dma_start3A_53 = arith.constant 0 : i32
    %dma_start3A_54 = arith.constant 0 : i32
    %dma_start3A_55 = arith.constant 0 : i32
    %dma_start3A_56 = tpu.memref_slice %arg6[%dma_start3A_52, %dma_start3A_53, %dma_start3A_54, %dma_start3A_55] : memref<4x2x200x64xf32, #tpu.memory_space<vmem>> -> memref<1x1x200x64xf32, #tpu.memory_space<vmem>>
    %dma_start3A_57 = tpu.memref_squeeze %dma_start3A_56 : memref<1x1x200x64xf32, #tpu.memory_space<vmem>> -> memref<200x64xf32, #tpu.memory_space<vmem>>
    %dma_start3A_58 = tpu.memref_slice %arg5[%multiple_of3A_51] : memref<25600xi32, #tpu.memory_space<vmem>> -> memref<200xi32, #tpu.memory_space<vmem>>
    %dma_start3A_59 = arith.constant 0 : i32
    %dma_start3A_60 = arith.constant 0 : i32
    %dma_start3A_61 = tpu.memref_slice %arg3[%dma_start3A_59, %dma_start3A_60] : memref<2000000x64xf32, #tpu.memory_space<hbm>> -> memref<2000000x64xf32, #tpu.memory_space<hbm>>
    tpu.enqueue_indirect_dma source(%dma_start3A_61 : memref<2000000x64xf32, #tpu.memory_space<hbm>>) target(%dma_start3A_57 : memref<200x64xf32, #tpu.memory_space<vmem>>) offsets(%dma_start3A_58 : memref<200xi32, #tpu.memory_space<vmem>>) semaphore(%arg7 : memref<!tpu.dma_semaphore, #tpu.memory_space<semaphore_mem>>)
    %multiple_of3A_62 = arith.constant 1000 : i32
    %multiple_of3A_63 = tpu.assume_multiple %multiple_of3A_62, 8 : i32
    %dma_start3A_64 = arith.constant 2 : i32
    %dma_start3A_65 = arith.constant 1 : i32
    %dma_start3A_66 = arith.constant 0 : i32
    %dma_start3A_67 = arith.constant 0 : i32
    %dma_start3A_68 = tpu.memref_slice %arg6[%dma_start3A_64, %dma_start3A_65, %dma_start3A_66, %dma_start3A_67] : memref<4x2x200x64xf32, #tpu.memory_space<vmem>> -> memref<1x1x200x64xf32, #tpu.memory_space<vmem>>
    %dma_start3A_69 = tpu.memref_squeeze %dma_start3A_68 : memref<1x1x200x64xf32, #tpu.memory_space<vmem>> -> memref<200x64xf32, #tpu.memory_space<vmem>>
    %dma_start3A_70 = tpu.memref_slice %arg5[%multiple_of3A_63] : memref<25600xi32, #tpu.memory_space<vmem>> -> memref<200xi32, #tpu.memory_space<vmem>>
    %dma_start3A_71 = arith.constant 0 : i32
    %dma_start3A_72 = arith.constant 0 : i32
    %dma_start3A_73 = tpu.memref_slice %arg3[%dma_start3A_71, %dma_start3A_72] : memref<2000000x64xf32, #tpu.memory_space<hbm>> -> memref<2000000x64xf32, #tpu.memory_space<hbm>>
    tpu.enqueue_indirect_dma source(%dma_start3A_73 : memref<2000000x64xf32, #tpu.memory_space<hbm>>) target(%dma_start3A_69 : memref<200x64xf32, #tpu.memory_space<vmem>>) offsets(%dma_start3A_70 : memref<200xi32, #tpu.memory_space<vmem>>) semaphore(%arg7 : memref<!tpu.dma_semaphore, #tpu.memory_space<semaphore_mem>>)
    %dma_wait3A = arith.constant 0 : i32
    %dma_wait3A_74 = arith.constant 0 : i32
    %dma_wait3A_75 = arith.constant 0 : i32
    %dma_wait3A_76 = arith.constant 0 : i32
    %dma_wait3A_77 = tpu.memref_slice %arg6[%dma_wait3A, %dma_wait3A_74, %dma_wait3A_75, %dma_wait3A_76] : memref<4x2x200x64xf32, #tpu.memory_space<vmem>> -> memref<1x1x200x64xf32, #tpu.memory_space<vmem>>
    %dma_wait3A_78 = tpu.memref_squeeze %dma_wait3A_77 : memref<1x1x200x64xf32, #tpu.memory_space<vmem>> -> memref<200x64xf32, #tpu.memory_space<vmem>>
    %dma_wait3A_79 = arith.constant 0 : i32
    %dma_wait3A_80 = tpu.memref_slice %arg5[%dma_wait3A_79] : memref<25600xi32, #tpu.memory_space<vmem>> -> memref<200xi32, #tpu.memory_space<vmem>>
    %dma_wait3A_81 = arith.constant 0 : i32
    %dma_wait3A_82 = arith.constant 0 : i32
    %dma_wait3A_83 = tpu.memref_slice %arg3[%dma_wait3A_81, %dma_wait3A_82] : memref<2000000x64xf32, #tpu.memory_space<hbm>> -> memref<2000000x64xf32, #tpu.memory_space<hbm>>
    tpu.wait_indirect_dma semaphore(%arg7 : memref<!tpu.dma_semaphore, #tpu.memory_space<semaphore_mem>>) src(%dma_wait3A_83 : memref<2000000x64xf32, #tpu.memory_space<hbm>>) dst(%dma_wait3A_78 : memref<200x64xf32, #tpu.memory_space<vmem>>)
    %dma_wait3A_84 = arith.constant 0 : i32
    %dma_wait3A_85 = arith.constant 1 : i32
    %dma_wait3A_86 = arith.constant 0 : i32
    %dma_wait3A_87 = arith.constant 0 : i32
    %dma_wait3A_88 = tpu.memref_slice %arg6[%dma_wait3A_84, %dma_wait3A_85, %dma_wait3A_86, %dma_wait3A_87] : memref<4x2x200x64xf32, #tpu.memory_space<vmem>> -> memref<1x1x200x64xf32, #tpu.memory_space<vmem>>
    %dma_wait3A_89 = tpu.memref_squeeze %dma_wait3A_88 : memref<1x1x200x64xf32, #tpu.memory_space<vmem>> -> memref<200x64xf32, #tpu.memory_space<vmem>>
    %dma_wait3A_90 = arith.constant 0 : i32
    %dma_wait3A_91 = tpu.memref_slice %arg5[%dma_wait3A_90] : memref<25600xi32, #tpu.memory_space<vmem>> -> memref<200xi32, #tpu.memory_space<vmem>>
    %dma_wait3A_92 = arith.constant 0 : i32
    %dma_wait3A_93 = arith.constant 0 : i32
    %dma_wait3A_94 = tpu.memref_slice %arg3[%dma_wait3A_92, %dma_wait3A_93] : memref<2000000x64xf32, #tpu.memory_space<hbm>> -> memref<2000000x64xf32, #tpu.memory_space<hbm>>
    tpu.wait_indirect_dma semaphore(%arg7 : memref<!tpu.dma_semaphore, #tpu.memory_space<semaphore_mem>>) src(%dma_wait3A_94 : memref<2000000x64xf32, #tpu.memory_space<hbm>>) dst(%dma_wait3A_89 : memref<200x64xf32, #tpu.memory_space<vmem>>)
    %add3A_95 = arith.constant 0 : i32
    %add3A_96 = arith.addi %multiple_of3A, %add3A_95 : i32
    %jit3A = arith.constant 200 : i32
    %div3A = arith.divsi %add3A_96, %jit3A : i32
    %sign3A = arith.constant 0 : i32
    %sign3A_97 = arith.cmpi sgt, %add3A_96, %sign3A : i32
    %sign3A_98 = arith.extui %sign3A_97 : i1 to i32
    %sign3A_99 = arith.constant 0 : i32
    %sign3A_100 = arith.cmpi slt, %add3A_96, %sign3A_99 : i32
    %sign3A_101 = arith.extui %sign3A_100 : i1 to i32
    %sign3A_102 = arith.subi %sign3A_98, %sign3A_101 : i32
    %sign3A_103 = arith.constant 0 : i32
    %sign3A_104 = arith.cmpi sgt, %jit3A, %sign3A_103 : i32
    %sign3A_105 = arith.extui %sign3A_104 : i1 to i32
    %sign3A_106 = arith.constant 0 : i32
    %sign3A_107 = arith.cmpi slt, %jit3A, %sign3A_106 : i32
    %sign3A_108 = arith.extui %sign3A_107 : i1 to i32
    %sign3A_109 = arith.subi %sign3A_105, %sign3A_108 : i32
    %ne3A = arith.cmpi ne, %sign3A_102, %sign3A_109 : i32
    %rem3A = arith.remsi %add3A_96, %jit3A : i32
    %ne3A_110 = arith.constant 0 : i32
    %ne3A_111 = arith.cmpi ne, %rem3A, %ne3A_110 : i32
    %and3A = arith.andi %ne3A, %ne3A_111 : i1
    %sub3A = arith.constant 1 : i32
    %sub3A_112 = arith.subi %div3A, %sub3A : i32
    %select_n3A = arith.select %and3A, %sub3A_112, %div3A : i32
    %multiple_of3A_113 = tpu.assume_multiple %select_n3A, 2 : i32
    %dma_start3A_114 = arith.constant 0 : i32
    %dma_start3A_115 = arith.constant 0 : i32
    %dma_start3A_116 = arith.constant 0 : i32
    %dma_start3A_117 = arith.constant 0 : i32
    %dma_start3A_118 = tpu.memref_slice %arg6[%dma_start3A_114, %dma_start3A_115, %dma_start3A_116, %dma_start3A_117] : memref<4x2x200x64xf32, #tpu.memory_space<vmem>> -> memref<1x2x200x64xf32, #tpu.memory_space<vmem>>
    %dma_start3A_119 = tpu.memref_squeeze %dma_start3A_118 : memref<1x2x200x64xf32, #tpu.memory_space<vmem>> -> memref<2x200x64xf32, #tpu.memory_space<vmem>>
    %dma_start3A_120 = arith.constant 0 : i32
    %dma_start3A_121 = arith.constant 0 : i32
    %dma_start3A_122 = tpu.memref_slice %arg4[%multiple_of3A_113, %dma_start3A_120, %dma_start3A_121] : memref<4096x200x128xf32, #tpu.memory_space<hbm>> -> memref<2x200x64xf32, #tpu.memory_space<hbm>>
    %dma_start3A_123 = arith.constant 0 : i32
    %dma_start3A_124 = arith.constant 0 : i32
    %dma_start3A_125 = tpu.memref_slice %arg4[%multiple_of3A_113, %dma_start3A_123, %dma_start3A_124] : memref<4096x200x128xf32, #tpu.memory_space<hbm>> -> memref<2x200x64xf32, #tpu.memory_space<hbm>>
    %dma_start3A_126 = arith.constant 0 : i32
    %dma_start3A_127 = arith.constant 0 : i32
    %dma_start3A_128 = arith.constant 0 : i32
    %dma_start3A_129 = tpu.memref_slice %arg6[%dma_start3A_114, %dma_start3A_126, %dma_start3A_127, %dma_start3A_128] : memref<4x2x200x64xf32, #tpu.memory_space<vmem>> -> memref<1x2x200x64xf32, #tpu.memory_space<vmem>>
    %dma_start3A_130 = tpu.memref_squeeze %dma_start3A_129 : memref<1x2x200x64xf32, #tpu.memory_space<vmem>> -> memref<2x200x64xf32, #tpu.memory_space<vmem>>
    tpu.enqueue_dma source(%dma_start3A_130 : memref<2x200x64xf32, #tpu.memory_space<vmem>>) target(%dma_start3A_125 : memref<2x200x64xf32, #tpu.memory_space<hbm>>) target_semaphore(%arg8 : memref<!tpu.dma_semaphore, #tpu.memory_space<semaphore_mem>>)
    %multiple_of3A_131 = arith.constant 1200 : i32
    %multiple_of3A_132 = tpu.assume_multiple %multiple_of3A_131, 8 : i32
    %dma_start3A_133 = arith.constant 3 : i32
    %dma_start3A_134 = arith.constant 0 : i32
    %dma_start3A_135 = arith.constant 0 : i32
    %dma_start3A_136 = arith.constant 0 : i32
    %dma_start3A_137 = tpu.memref_slice %arg6[%dma_start3A_133, %dma_start3A_134, %dma_start3A_135, %dma_start3A_136] : memref<4x2x200x64xf32, #tpu.memory_space<vmem>> -> memref<1x1x200x64xf32, #tpu.memory_space<vmem>>
    %dma_start3A_138 = tpu.memref_squeeze %dma_start3A_137 : memref<1x1x200x64xf32, #tpu.memory_space<vmem>> -> memref<200x64xf32, #tpu.memory_space<vmem>>
    %dma_start3A_139 = tpu.memref_slice %arg5[%multiple_of3A_132] : memref<25600xi32, #tpu.memory_space<vmem>> -> memref<200xi32, #tpu.memory_space<vmem>>
    %dma_start3A_140 = arith.constant 0 : i32
    %dma_start3A_141 = arith.constant 0 : i32
    %dma_start3A_142 = tpu.memref_slice %arg3[%dma_start3A_140, %dma_start3A_141] : memref<2000000x64xf32, #tpu.memory_space<hbm>> -> memref<2000000x64xf32, #tpu.memory_space<hbm>>
    tpu.enqueue_indirect_dma source(%dma_start3A_142 : memref<2000000x64xf32, #tpu.memory_space<hbm>>) target(%dma_start3A_138 : memref<200x64xf32, #tpu.memory_space<vmem>>) offsets(%dma_start3A_139 : memref<200xi32, #tpu.memory_space<vmem>>) semaphore(%arg7 : memref<!tpu.dma_semaphore, #tpu.memory_space<semaphore_mem>>)
    %multiple_of3A_143 = arith.constant 1400 : i32
    %multiple_of3A_144 = tpu.assume_multiple %multiple_of3A_143, 8 : i32
    %dma_start3A_145 = arith.constant 3 : i32
    %dma_start3A_146 = arith.constant 1 : i32
    %dma_start3A_147 = arith.constant 0 : i32
    %dma_start3A_148 = arith.constant 0 : i32
    %dma_start3A_149 = tpu.memref_slice %arg6[%dma_start3A_145, %dma_start3A_146, %dma_start3A_147, %dma_start3A_148] : memref<4x2x200x64xf32, #tpu.memory_space<vmem>> -> memref<1x1x200x64xf32, #tpu.memory_space<vmem>>
    %dma_start3A_150 = tpu.memref_squeeze %dma_start3A_149 : memref<1x1x200x64xf32, #tpu.memory_space<vmem>> -> memref<200x64xf32, #tpu.memory_space<vmem>>
    %dma_start3A_151 = tpu.memref_slice %arg5[%multiple_of3A_144] : memref<25600xi32, #tpu.memory_space<vmem>> -> memref<200xi32, #tpu.memory_space<vmem>>
    %dma_start3A_152 = arith.constant 0 : i32
    %dma_start3A_153 = arith.constant 0 : i32
    %dma_start3A_154 = tpu.memref_slice %arg3[%dma_start3A_152, %dma_start3A_153] : memref<2000000x64xf32, #tpu.memory_space<hbm>> -> memref<2000000x64xf32, #tpu.memory_space<hbm>>
    tpu.enqueue_indirect_dma source(%dma_start3A_154 : memref<2000000x64xf32, #tpu.memory_space<hbm>>) target(%dma_start3A_150 : memref<200x64xf32, #tpu.memory_space<vmem>>) offsets(%dma_start3A_151 : memref<200xi32, #tpu.memory_space<vmem>>) semaphore(%arg7 : memref<!tpu.dma_semaphore, #tpu.memory_space<semaphore_mem>>)
    %dma_wait3A_155 = arith.constant 0 : i32
    %dma_wait3A_156 = arith.constant 0 : i32
    %dma_wait3A_157 = arith.constant 0 : i32
    %dma_wait3A_158 = arith.constant 0 : i32
    %dma_wait3A_159 = tpu.memref_slice %arg6[%dma_wait3A_155, %dma_wait3A_156, %dma_wait3A_157, %dma_wait3A_158] : memref<4x2x200x64xf32, #tpu.memory_space<vmem>> -> memref<1x2x200x64xf32, #tpu.memory_space<vmem>>
    %dma_wait3A_160 = tpu.memref_squeeze %dma_wait3A_159 : memref<1x2x200x64xf32, #tpu.memory_space<vmem>> -> memref<2x200x64xf32, #tpu.memory_space<vmem>>
    %dma_wait3A_161 = arith.constant 0 : i32
    %dma_wait3A_162 = arith.constant 0 : i32
    %dma_wait3A_163 = arith.constant 0 : i32
    %dma_wait3A_164 = tpu.memref_slice %arg4[%dma_wait3A_161, %dma_wait3A_162, %dma_wait3A_163] : memref<4096x200x128xf32, #tpu.memory_space<hbm>> -> memref<2x200x64xf32, #tpu.memory_space<hbm>>
    %dma_wait3A_165 = arith.constant 0 : i32
    %dma_wait3A_166 = arith.constant 0 : i32
    %dma_wait3A_167 = arith.constant 0 : i32
    %dma_wait3A_168 = tpu.memref_slice %arg4[%dma_wait3A_165, %dma_wait3A_166, %dma_wait3A_167] : memref<4096x200x128xf32, #tpu.memory_space<hbm>> -> memref<2x200x64xf32, #tpu.memory_space<hbm>>
    %dma_wait3A_169 = arith.constant 0 : i32
    %dma_wait3A_170 = arith.constant 0 : i32
    %dma_wait3A_171 = arith.constant 0 : i32
    %dma_wait3A_172 = tpu.memref_slice %arg6[%dma_wait3A_155, %dma_wait3A_169, %dma_wait3A_170, %dma_wait3A_171] : memref<4x2x200x64xf32, #tpu.memory_space<vmem>> -> memref<1x2x200x64xf32, #tpu.memory_space<vmem>>
    %dma_wait3A_173 = tpu.memref_squeeze %dma_wait3A_172 : memref<1x2x200x64xf32, #tpu.memory_space<vmem>> -> memref<2x200x64xf32, #tpu.memory_space<vmem>>
    tpu.wait_dma2 semaphore(%arg8 : memref<!tpu.dma_semaphore, #tpu.memory_space<semaphore_mem>>) src(%dma_wait3A_173 : memref<2x200x64xf32, #tpu.memory_space<vmem>>) dst(%dma_wait3A_168 : memref<2x200x64xf32, #tpu.memory_space<hbm>>)
    %dma_wait3A_174 = arith.constant 1 : i32
    %dma_wait3A_175 = arith.constant 0 : i32
    %dma_wait3A_176 = arith.constant 0 : i32
    %dma_wait3A_177 = arith.constant 0 : i32
    %dma_wait3A_178 = tpu.memref_slice %arg6[%dma_wait3A_174, %dma_wait3A_175, %dma_wait3A_176, %dma_wait3A_177] : memref<4x2x200x64xf32, #tpu.memory_space<vmem>> -> memref<1x1x200x64xf32, #tpu.memory_space<vmem>>
    %dma_wait3A_179 = tpu.memref_squeeze %dma_wait3A_178 : memref<1x1x200x64xf32, #tpu.memory_space<vmem>> -> memref<200x64xf32, #tpu.memory_space<vmem>>
    %dma_wait3A_180 = arith.constant 0 : i32
    %dma_wait3A_181 = tpu.memref_slice %arg5[%dma_wait3A_180] : memref<25600xi32, #tpu.memory_space<vmem>> -> memref<200xi32, #tpu.memory_space<vmem>>
    %dma_wait3A_182 = arith.constant 0 : i32
    %dma_wait3A_183 = arith.constant 0 : i32
    %dma_wait3A_184 = tpu.memref_slice %arg3[%dma_wait3A_182, %dma_wait3A_183] : memref<2000000x64xf32, #tpu.memory_space<hbm>> -> memref<2000000x64xf32, #tpu.memory_space<hbm>>
    tpu.wait_indirect_dma semaphore(%arg7 : memref<!tpu.dma_semaphore, #tpu.memory_space<semaphore_mem>>) src(%dma_wait3A_184 : memref<2000000x64xf32, #tpu.memory_space<hbm>>) dst(%dma_wait3A_179 : memref<200x64xf32, #tpu.memory_space<vmem>>)
    %dma_wait3A_185 = arith.constant 1 : i32
    %dma_wait3A_186 = arith.constant 1 : i32
    %dma_wait3A_187 = arith.constant 0 : i32
    %dma_wait3A_188 = arith.constant 0 : i32
    %dma_wait3A_189 = tpu.memref_slice %arg6[%dma_wait3A_185, %dma_wait3A_186, %dma_wait3A_187, %dma_wait3A_188] : memref<4x2x200x64xf32, #tpu.memory_space<vmem>> -> memref<1x1x200x64xf32, #tpu.memory_space<vmem>>
    %dma_wait3A_190 = tpu.memref_squeeze %dma_wait3A_189 : memref<1x1x200x64xf32, #tpu.memory_space<vmem>> -> memref<200x64xf32, #tpu.memory_space<vmem>>
    %dma_wait3A_191 = arith.constant 0 : i32
    %dma_wait3A_192 = tpu.memref_slice %arg5[%dma_wait3A_191] : memref<25600xi32, #tpu.memory_space<vmem>> -> memref<200xi32, #tpu.memory_space<vmem>>
    %dma_wait3A_193 = arith.constant 0 : i32
    %dma_wait3A_194 = arith.constant 0 : i32
    %dma_wait3A_195 = tpu.memref_slice %arg3[%dma_wait3A_193, %dma_wait3A_194] : memref<2000000x64xf32, #tpu.memory_space<hbm>> -> memref<2000000x64xf32, #tpu.memory_space<hbm>>
    tpu.wait_indirect_dma semaphore(%arg7 : memref<!tpu.dma_semaphore, #tpu.memory_space<semaphore_mem>>) src(%dma_wait3A_195 : memref<2000000x64xf32, #tpu.memory_space<hbm>>) dst(%dma_wait3A_190 : memref<200x64xf32, #tpu.memory_space<vmem>>)
    %add3A_196 = arith.constant 400 : i32
    %add3A_197 = arith.addi %multiple_of3A, %add3A_196 : i32
    %jit3A_198 = arith.constant 200 : i32
    %div3A_199 = arith.divsi %add3A_197, %jit3A_198 : i32
    %sign3A_200 = arith.constant 0 : i32
    %sign3A_201 = arith.cmpi sgt, %add3A_197, %sign3A_200 : i32
    %sign3A_202 = arith.extui %sign3A_201 : i1 to i32
    %sign3A_203 = arith.constant 0 : i32
    %sign3A_204 = arith.cmpi slt, %add3A_197, %sign3A_203 : i32
    %sign3A_205 = arith.extui %sign3A_204 : i1 to i32
    %sign3A_206 = arith.subi %sign3A_202, %sign3A_205 : i32
    %sign3A_207 = arith.constant 0 : i32
    %sign3A_208 = arith.cmpi sgt, %jit3A_198, %sign3A_207 : i32
    %sign3A_209 = arith.extui %sign3A_208 : i1 to i32
    %sign3A_210 = arith.constant 0 : i32
    %sign3A_211 = arith.cmpi slt, %jit3A_198, %sign3A_210 : i32
    %sign3A_212 = arith.extui %sign3A_211 : i1 to i32
    %sign3A_213 = arith.subi %sign3A_209, %sign3A_212 : i32
    %ne3A_214 = arith.cmpi ne, %sign3A_206, %sign3A_213 : i32
    %rem3A_215 = arith.remsi %add3A_197, %jit3A_198 : i32
    %ne3A_216 = arith.constant 0 : i32
    %ne3A_217 = arith.cmpi ne, %rem3A_215, %ne3A_216 : i32
    %and3A_218 = arith.andi %ne3A_214, %ne3A_217 : i1
    %sub3A_219 = arith.constant 1 : i32
    %sub3A_220 = arith.subi %div3A_199, %sub3A_219 : i32
    %select_n3A_221 = arith.select %and3A_218, %sub3A_220, %div3A_199 : i32
    %multiple_of3A_222 = tpu.assume_multiple %select_n3A_221, 2 : i32
    %dma_start3A_223 = arith.constant 1 : i32
    %dma_start3A_224 = arith.constant 0 : i32
    %dma_start3A_225 = arith.constant 0 : i32
    %dma_start3A_226 = arith.constant 0 : i32
    %dma_start3A_227 = tpu.memref_slice %arg6[%dma_start3A_223, %dma_start3A_224, %dma_start3A_225, %dma_start3A_226] : memref<4x2x200x64xf32, #tpu.memory_space<vmem>> -> memref<1x2x200x64xf32, #tpu.memory_space<vmem>>
    %dma_start3A_228 = tpu.memref_squeeze %dma_start3A_227 : memref<1x2x200x64xf32, #tpu.memory_space<vmem>> -> memref<2x200x64xf32, #tpu.memory_space<vmem>>
    %dma_start3A_229 = arith.constant 0 : i32
    %dma_start3A_230 = arith.constant 0 : i32
    %dma_start3A_231 = tpu.memref_slice %arg4[%multiple_of3A_222, %dma_start3A_229, %dma_start3A_230] : memref<4096x200x128xf32, #tpu.memory_space<hbm>> -> memref<2x200x64xf32, #tpu.memory_space<hbm>>
    %dma_start3A_232 = arith.constant 0 : i32
    %dma_start3A_233 = arith.constant 0 : i32
    %dma_start3A_234 = tpu.memref_slice %arg4[%multiple_of3A_222, %dma_start3A_232, %dma_start3A_233] : memref<4096x200x128xf32, #tpu.memory_space<hbm>> -> memref<2x200x64xf32, #tpu.memory_space<hbm>>
    %dma_start3A_235 = arith.constant 0 : i32
    %dma_start3A_236 = arith.constant 0 : i32
    %dma_start3A_237 = arith.constant 0 : i32
    %dma_start3A_238 = tpu.memref_slice %arg6[%dma_start3A_223, %dma_start3A_235, %dma_start3A_236, %dma_start3A_237] : memref<4x2x200x64xf32, #tpu.memory_space<vmem>> -> memref<1x2x200x64xf32, #tpu.memory_space<vmem>>
    %dma_start3A_239 = tpu.memref_squeeze %dma_start3A_238 : memref<1x2x200x64xf32, #tpu.memory_space<vmem>> -> memref<2x200x64xf32, #tpu.memory_space<vmem>>
    tpu.enqueue_dma source(%dma_start3A_239 : memref<2x200x64xf32, #tpu.memory_space<vmem>>) target(%dma_start3A_234 : memref<2x200x64xf32, #tpu.memory_space<hbm>>) target_semaphore(%arg8 : memref<!tpu.dma_semaphore, #tpu.memory_space<semaphore_mem>>)
    %multiple_of3A_240 = arith.constant 1600 : i32
    %multiple_of3A_241 = tpu.assume_multiple %multiple_of3A_240, 8 : i32
    %dma_start3A_242 = arith.constant 0 : i32
    %dma_start3A_243 = arith.constant 0 : i32
    %dma_start3A_244 = arith.constant 0 : i32
    %dma_start3A_245 = arith.constant 0 : i32
    %dma_start3A_246 = tpu.memref_slice %arg6[%dma_start3A_242, %dma_start3A_243, %dma_start3A_244, %dma_start3A_245] : memref<4x2x200x64xf32, #tpu.memory_space<vmem>> -> memref<1x1x200x64xf32, #tpu.memory_space<vmem>>
    %dma_start3A_247 = tpu.memref_squeeze %dma_start3A_246 : memref<1x1x200x64xf32, #tpu.memory_space<vmem>> -> memref<200x64xf32, #tpu.memory_space<vmem>>
    %dma_start3A_248 = tpu.memref_slice %arg5[%multiple_of3A_241] : memref<25600xi32, #tpu.memory_space<vmem>> -> memref<200xi32, #tpu.memory_space<vmem>>
    %dma_start3A_249 = arith.constant 0 : i32
    %dma_start3A_250 = arith.constant 0 : i32
    %dma_start3A_251 = tpu.memref_slice %arg3[%dma_start3A_249, %dma_start3A_250] : memref<2000000x64xf32, #tpu.memory_space<hbm>> -> memref<2000000x64xf32, #tpu.memory_space<hbm>>
    tpu.enqueue_indirect_dma source(%dma_start3A_251 : memref<2000000x64xf32, #tpu.memory_space<hbm>>) target(%dma_start3A_247 : memref<200x64xf32, #tpu.memory_space<vmem>>) offsets(%dma_start3A_248 : memref<200xi32, #tpu.memory_space<vmem>>) semaphore(%arg7 : memref<!tpu.dma_semaphore, #tpu.memory_space<semaphore_mem>>)
    %multiple_of3A_252 = arith.constant 1800 : i32
    %multiple_of3A_253 = tpu.assume_multiple %multiple_of3A_252, 8 : i32
    %dma_start3A_254 = arith.constant 0 : i32
    %dma_start3A_255 = arith.constant 1 : i32
    %dma_start3A_256 = arith.constant 0 : i32
    %dma_start3A_257 = arith.constant 0 : i32
    %dma_start3A_258 = tpu.memref_slice %arg6[%dma_start3A_254, %dma_start3A_255, %dma_start3A_256, %dma_start3A_257] : memref<4x2x200x64xf32, #tpu.memory_space<vmem>> -> memref<1x1x200x64xf32, #tpu.memory_space<vmem>>
    %dma_start3A_259 = tpu.memref_squeeze %dma_start3A_258 : memref<1x1x200x64xf32, #tpu.memory_space<vmem>> -> memref<200x64xf32, #tpu.memory_space<vmem>>
    %dma_start3A_260 = tpu.memref_slice %arg5[%multiple_of3A_253] : memref<25600xi32, #tpu.memory_space<vmem>> -> memref<200xi32, #tpu.memory_space<vmem>>
    %dma_start3A_261 = arith.constant 0 : i32
    %dma_start3A_262 = arith.constant 0 : i32
    %dma_start3A_263 = tpu.memref_slice %arg3[%dma_start3A_261, %dma_start3A_262] : memref<2000000x64xf32, #tpu.memory_space<hbm>> -> memref<2000000x64xf32, #tpu.memory_space<hbm>>
    tpu.enqueue_indirect_dma source(%dma_start3A_263 : memref<2000000x64xf32, #tpu.memory_space<hbm>>) target(%dma_start3A_259 : memref<200x64xf32, #tpu.memory_space<vmem>>) offsets(%dma_start3A_260 : memref<200xi32, #tpu.memory_space<vmem>>) semaphore(%arg7 : memref<!tpu.dma_semaphore, #tpu.memory_space<semaphore_mem>>)
    %dma_wait3A_264 = arith.constant 0 : i32
    %dma_wait3A_265 = arith.constant 0 : i32
    %dma_wait3A_266 = arith.constant 0 : i32
    %dma_wait3A_267 = arith.constant 0 : i32
    %dma_wait3A_268 = tpu.memref_slice %arg6[%dma_wait3A_264, %dma_wait3A_265, %dma_wait3A_266, %dma_wait3A_267] : memref<4x2x200x64xf32, #tpu.memory_space<vmem>> -> memref<1x2x200x64xf32, #tpu.memory_space<vmem>>
    %dma_wait3A_269 = tpu.memref_squeeze %dma_wait3A_268 : memref<1x2x200x64xf32, #tpu.memory_space<vmem>> -> memref<2x200x64xf32, #tpu.memory_space<vmem>>
    %dma_wait3A_270 = arith.constant 0 : i32
    %dma_wait3A_271 = arith.constant 0 : i32
    %dma_wait3A_272 = arith.constant 0 : i32
    %dma_wait3A_273 = tpu.memref_slice %arg4[%dma_wait3A_270, %dma_wait3A_271, %dma_wait3A_272] : memref<4096x200x128xf32, #tpu.memory_space<hbm>> -> memref<2x200x64xf32, #tpu.memory_space<hbm>>
    %dma_wait3A_274 = arith.constant 0 : i32
    %dma_wait3A_275 = arith.constant 0 : i32
    %dma_wait3A_276 = arith.constant 0 : i32
    %dma_wait3A_277 = tpu.memref_slice %arg4[%dma_wait3A_274, %dma_wait3A_275, %dma_wait3A_276] : memref<4096x200x128xf32, #tpu.memory_space<hbm>> -> memref<2x200x64xf32, #tpu.memory_space<hbm>>
    %dma_wait3A_278 = arith.constant 0 : i32
    %dma_wait3A_279 = arith.constant 0 : i32
    %dma_wait3A_280 = arith.constant 0 : i32
    %dma_wait3A_281 = tpu.memref_slice %arg6[%dma_wait3A_264, %dma_wait3A_278, %dma_wait3A_279, %dma_wait3A_280] : memref<4x2x200x64xf32, #tpu.memory_space<vmem>> -> memref<1x2x200x64xf32, #tpu.memory_space<vmem>>
    %dma_wait3A_282 = tpu.memref_squeeze %dma_wait3A_281 : memref<1x2x200x64xf32, #tpu.memory_space<vmem>> -> memref<2x200x64xf32, #tpu.memory_space<vmem>>
    tpu.wait_dma2 semaphore(%arg8 : memref<!tpu.dma_semaphore, #tpu.memory_space<semaphore_mem>>) src(%dma_wait3A_282 : memref<2x200x64xf32, #tpu.memory_space<vmem>>) dst(%dma_wait3A_277 : memref<2x200x64xf32, #tpu.memory_space<hbm>>)
    %dma_wait3A_283 = arith.constant 2 : i32
    %dma_wait3A_284 = arith.constant 0 : i32
    %dma_wait3A_285 = arith.constant 0 : i32
    %dma_wait3A_286 = arith.constant 0 : i32
    %dma_wait3A_287 = tpu.memref_slice %arg6[%dma_wait3A_283, %dma_wait3A_284, %dma_wait3A_285, %dma_wait3A_286] : memref<4x2x200x64xf32, #tpu.memory_space<vmem>> -> memref<1x1x200x64xf32, #tpu.memory_space<vmem>>
    %dma_wait3A_288 = tpu.memref_squeeze %dma_wait3A_287 : memref<1x1x200x64xf32, #tpu.memory_space<vmem>> -> memref<200x64xf32, #tpu.memory_space<vmem>>
    %dma_wait3A_289 = arith.constant 0 : i32
    %dma_wait3A_290 = tpu.memref_slice %arg5[%dma_wait3A_289] : memref<25600xi32, #tpu.memory_space<vmem>> -> memref<200xi32, #tpu.memory_space<vmem>>
    %dma_wait3A_291 = arith.constant 0 : i32
    %dma_wait3A_292 = arith.constant 0 : i32
    %dma_wait3A_293 = tpu.memref_slice %arg3[%dma_wait3A_291, %dma_wait3A_292] : memref<2000000x64xf32, #tpu.memory_space<hbm>> -> memref<2000000x64xf32, #tpu.memory_space<hbm>>
    tpu.wait_indirect_dma semaphore(%arg7 : memref<!tpu.dma_semaphore, #tpu.memory_space<semaphore_mem>>) src(%dma_wait3A_293 : memref<2000000x64xf32, #tpu.memory_space<hbm>>) dst(%dma_wait3A_288 : memref<200x64xf32, #tpu.memory_space<vmem>>)
    %dma_wait3A_294 = arith.constant 2 : i32
    %dma_wait3A_295 = arith.constant 1 : i32
    %dma_wait3A_296 = arith.constant 0 : i32
    %dma_wait3A_297 = arith.constant 0 : i32
    %dma_wait3A_298 = tpu.memref_slice %arg6[%dma_wait3A_294, %dma_wait3A_295, %dma_wait3A_296, %dma_wait3A_297] : memref<4x2x200x64xf32, #tpu.memory_space<vmem>> -> memref<1x1x200x64xf32, #tpu.memory_space<vmem>>
    %dma_wait3A_299 = tpu.memref_squeeze %dma_wait3A_298 : memref<1x1x200x64xf32, #tpu.memory_space<vmem>> -> memref<200x64xf32, #tpu.memory_space<vmem>>
    %dma_wait3A_300 = arith.constant 0 : i32
    %dma_wait3A_301 = tpu.memref_slice %arg5[%dma_wait3A_300] : memref<25600xi32, #tpu.memory_space<vmem>> -> memref<200xi32, #tpu.memory_space<vmem>>
    %dma_wait3A_302 = arith.constant 0 : i32
    %dma_wait3A_303 = arith.constant 0 : i32
    %dma_wait3A_304 = tpu.memref_slice %arg3[%dma_wait3A_302, %dma_wait3A_303] : memref<2000000x64xf32, #tpu.memory_space<hbm>> -> memref<2000000x64xf32, #tpu.memory_space<hbm>>
    tpu.wait_indirect_dma semaphore(%arg7 : memref<!tpu.dma_semaphore, #tpu.memory_space<semaphore_mem>>) src(%dma_wait3A_304 : memref<2000000x64xf32, #tpu.memory_space<hbm>>) dst(%dma_wait3A_299 : memref<200x64xf32, #tpu.memory_space<vmem>>)
    %add3A_305 = arith.constant 800 : i32
    %add3A_306 = arith.addi %multiple_of3A, %add3A_305 : i32
    %jit3A_307 = arith.constant 200 : i32
    %div3A_308 = arith.divsi %add3A_306, %jit3A_307 : i32
    %sign3A_309 = arith.constant 0 : i32
    %sign3A_310 = arith.cmpi sgt, %add3A_306, %sign3A_309 : i32
    %sign3A_311 = arith.extui %sign3A_310 : i1 to i32
    %sign3A_312 = arith.constant 0 : i32
    %sign3A_313 = arith.cmpi slt, %add3A_306, %sign3A_312 : i32
    %sign3A_314 = arith.extui %sign3A_313 : i1 to i32
    %sign3A_315 = arith.subi %sign3A_311, %sign3A_314 : i32
    %sign3A_316 = arith.constant 0 : i32
    %sign3A_317 = arith.cmpi sgt, %jit3A_307, %sign3A_316 : i32
    %sign3A_318 = arith.extui %sign3A_317 : i1 to i32
    %sign3A_319 = arith.constant 0 : i32
    %sign3A_320 = arith.cmpi slt, %jit3A_307, %sign3A_319 : i32
    %sign3A_321 = arith.extui %sign3A_320 : i1 to i32
    %sign3A_322 = arith.subi %sign3A_318, %sign3A_321 : i32
    %ne3A_323 = arith.cmpi ne, %sign3A_315, %sign3A_322 : i32
    %rem3A_324 = arith.remsi %add3A_306, %jit3A_307 : i32
    %ne3A_325 = arith.constant 0 : i32
    %ne3A_326 = arith.cmpi ne, %rem3A_324, %ne3A_325 : i32
    %and3A_327 = arith.andi %ne3A_323, %ne3A_326 : i1
    %sub3A_328 = arith.constant 1 : i32
    %sub3A_329 = arith.subi %div3A_308, %sub3A_328 : i32
    %select_n3A_330 = arith.select %and3A_327, %sub3A_329, %div3A_308 : i32
    %multiple_of3A_331 = tpu.assume_multiple %select_n3A_330, 2 : i32
    %dma_start3A_332 = arith.constant 2 : i32
    %dma_start3A_333 = arith.constant 0 : i32
    %dma_start3A_334 = arith.constant 0 : i32
    %dma_start3A_335 = arith.constant 0 : i32
    %dma_start3A_336 = tpu.memref_slice %arg6[%dma_start3A_332, %dma_start3A_333, %dma_start3A_334, %dma_start3A_335] : memref<4x2x200x64xf32, #tpu.memory_space<vmem>> -> memref<1x2x200x64xf32, #tpu.memory_space<vmem>>
    %dma_start3A_337 = tpu.memref_squeeze %dma_start3A_336 : memref<1x2x200x64xf32, #tpu.memory_space<vmem>> -> memref<2x200x64xf32, #tpu.memory_space<vmem>>
    %dma_start3A_338 = arith.constant 0 : i32
    %dma_start3A_339 = arith.constant 0 : i32
    %dma_start3A_340 = tpu.memref_slice %arg4[%multiple_of3A_331, %dma_start3A_338, %dma_start3A_339] : memref<4096x200x128xf32, #tpu.memory_space<hbm>> -> memref<2x200x64xf32, #tpu.memory_space<hbm>>
    %dma_start3A_341 = arith.constant 0 : i32
    %dma_start3A_342 = arith.constant 0 : i32
    %dma_start3A_343 = tpu.memref_slice %arg4[%multiple_of3A_331, %dma_start3A_341, %dma_start3A_342] : memref<4096x200x128xf32, #tpu.memory_space<hbm>> -> memref<2x200x64xf32, #tpu.memory_space<hbm>>
    %dma_start3A_344 = arith.constant 0 : i32
    %dma_start3A_345 = arith.constant 0 : i32
    %dma_start3A_346 = arith.constant 0 : i32
    %dma_start3A_347 = tpu.memref_slice %arg6[%dma_start3A_332, %dma_start3A_344, %dma_start3A_345, %dma_start3A_346] : memref<4x2x200x64xf32, #tpu.memory_space<vmem>> -> memref<1x2x200x64xf32, #tpu.memory_space<vmem>>
    %dma_start3A_348 = tpu.memref_squeeze %dma_start3A_347 : memref<1x2x200x64xf32, #tpu.memory_space<vmem>> -> memref<2x200x64xf32, #tpu.memory_space<vmem>>
    tpu.enqueue_dma source(%dma_start3A_348 : memref<2x200x64xf32, #tpu.memory_space<vmem>>) target(%dma_start3A_343 : memref<2x200x64xf32, #tpu.memory_space<hbm>>) target_semaphore(%arg8 : memref<!tpu.dma_semaphore, #tpu.memory_space<semaphore_mem>>)
    %multiple_of3A_349 = arith.constant 2000 : i32
    %multiple_of3A_350 = tpu.assume_multiple %multiple_of3A_349, 8 : i32
    %dma_start3A_351 = arith.constant 1 : i32
    %dma_start3A_352 = arith.constant 0 : i32
    %dma_start3A_353 = arith.constant 0 : i32
    %dma_start3A_354 = arith.constant 0 : i32
    %dma_start3A_355 = tpu.memref_slice %arg6[%dma_start3A_351, %dma_start3A_352, %dma_start3A_353, %dma_start3A_354] : memref<4x2x200x64xf32, #tpu.memory_space<vmem>> -> memref<1x1x200x64xf32, #tpu.memory_space<vmem>>
    %dma_start3A_356 = tpu.memref_squeeze %dma_start3A_355 : memref<1x1x200x64xf32, #tpu.memory_space<vmem>> -> memref<200x64xf32, #tpu.memory_space<vmem>>
    %dma_start3A_357 = tpu.memref_slice %arg5[%multiple_of3A_350] : memref<25600xi32, #tpu.memory_space<vmem>> -> memref<200xi32, #tpu.memory_space<vmem>>
    %dma_start3A_358 = arith.constant 0 : i32
    %dma_start3A_359 = arith.constant 0 : i32
    %dma_start3A_360 = tpu.memref_slice %arg3[%dma_start3A_358, %dma_start3A_359] : memref<2000000x64xf32, #tpu.memory_space<hbm>> -> memref<2000000x64xf32, #tpu.memory_space<hbm>>
    tpu.enqueue_indirect_dma source(%dma_start3A_360 : memref<2000000x64xf32, #tpu.memory_space<hbm>>) target(%dma_start3A_356 : memref<200x64xf32, #tpu.memory_space<vmem>>) offsets(%dma_start3A_357 : memref<200xi32, #tpu.memory_space<vmem>>) semaphore(%arg7 : memref<!tpu.dma_semaphore, #tpu.memory_space<semaphore_mem>>)
    %multiple_of3A_361 = arith.constant 2200 : i32
    %multiple_of3A_362 = tpu.assume_multiple %multiple_of3A_361, 8 : i32
    %dma_start3A_363 = arith.constant 1 : i32
    %dma_start3A_364 = arith.constant 1 : i32
    %dma_start3A_365 = arith.constant 0 : i32
    %dma_start3A_366 = arith.constant 0 : i32
    %dma_start3A_367 = tpu.memref_slice %arg6[%dma_start3A_363, %dma_start3A_364, %dma_start3A_365, %dma_start3A_366] : memref<4x2x200x64xf32, #tpu.memory_space<vmem>> -> memref<1x1x200x64xf32, #tpu.memory_space<vmem>>
    %dma_start3A_368 = tpu.memref_squeeze %dma_start3A_367 : memref<1x1x200x64xf32, #tpu.memory_space<vmem>> -> memref<200x64xf32, #tpu.memory_space<vmem>>
    %dma_start3A_369 = tpu.memref_slice %arg5[%multiple_of3A_362] : memref<25600xi32, #tpu.memory_space<vmem>> -> memref<200xi32, #tpu.memory_space<vmem>>
    %dma_start3A_370 = arith.constant 0 : i32
    %dma_start3A_371 = arith.constant 0 : i32
    %dma_start3A_372 = tpu.memref_slice %arg3[%dma_start3A_370, %dma_start3A_371] : memref<2000000x64xf32, #tpu.memory_space<hbm>> -> memref<2000000x64xf32, #tpu.memory_space<hbm>>
    tpu.enqueue_indirect_dma source(%dma_start3A_372 : memref<2000000x64xf32, #tpu.memory_space<hbm>>) target(%dma_start3A_368 : memref<200x64xf32, #tpu.memory_space<vmem>>) offsets(%dma_start3A_369 : memref<200xi32, #tpu.memory_space<vmem>>) semaphore(%arg7 : memref<!tpu.dma_semaphore, #tpu.memory_space<semaphore_mem>>)
    %dma_wait3A_373 = arith.constant 0 : i32
    %dma_wait3A_374 = arith.constant 0 : i32
    %dma_wait3A_375 = arith.constant 0 : i32
    %dma_wait3A_376 = arith.constant 0 : i32
    %dma_wait3A_377 = tpu.memref_slice %arg6[%dma_wait3A_373, %dma_wait3A_374, %dma_wait3A_375, %dma_wait3A_376] : memref<4x2x200x64xf32, #tpu.memory_space<vmem>> -> memref<1x2x200x64xf32, #tpu.memory_space<vmem>>
    %dma_wait3A_378 = tpu.memref_squeeze %dma_wait3A_377 : memref<1x2x200x64xf32, #tpu.memory_space<vmem>> -> memref<2x200x64xf32, #tpu.memory_space<vmem>>
    %dma_wait3A_379 = arith.constant 0 : i32
    %dma_wait3A_380 = arith.constant 0 : i32
    %dma_wait3A_381 = arith.constant 0 : i32
    %dma_wait3A_382 = tpu.memref_slice %arg4[%dma_wait3A_379, %dma_wait3A_380, %dma_wait3A_381] : memref<4096x200x128xf32, #tpu.memory_space<hbm>> -> memref<2x200x64xf32, #tpu.memory_space<hbm>>
    %dma_wait3A_383 = arith.constant 0 : i32
    %dma_wait3A_384 = arith.constant 0 : i32
    %dma_wait3A_385 = arith.constant 0 : i32
    %dma_wait3A_386 = tpu.memref_slice %arg4[%dma_wait3A_383, %dma_wait3A_384, %dma_wait3A_385] : memref<4096x200x128xf32, #tpu.memory_space<hbm>> -> memref<2x200x64xf32, #tpu.memory_space<hbm>>
    %dma_wait3A_387 = arith.constant 0 : i32
    %dma_wait3A_388 = arith.constant 0 : i32
    %dma_wait3A_389 = arith.constant 0 : i32
    %dma_wait3A_390 = tpu.memref_slice %arg6[%dma_wait3A_373, %dma_wait3A_387, %dma_wait3A_388, %dma_wait3A_389] : memref<4x2x200x64xf32, #tpu.memory_space<vmem>> -> memref<1x2x200x64xf32, #tpu.memory_space<vmem>>
    %dma_wait3A_391 = tpu.memref_squeeze %dma_wait3A_390 : memref<1x2x200x64xf32, #tpu.memory_space<vmem>> -> memref<2x200x64xf32, #tpu.memory_space<vmem>>
    tpu.wait_dma2 semaphore(%arg8 : memref<!tpu.dma_semaphore, #tpu.memory_space<semaphore_mem>>) src(%dma_wait3A_391 : memref<2x200x64xf32, #tpu.memory_space<vmem>>) dst(%dma_wait3A_386 : memref<2x200x64xf32, #tpu.memory_space<hbm>>)
    %dma_wait3A_392 = arith.constant 3 : i32
    %dma_wait3A_393 = arith.constant 0 : i32
    %dma_wait3A_394 = arith.constant 0 : i32
    %dma_wait3A_395 = arith.constant 0 : i32
    %dma_wait3A_396 = tpu.memref_slice %arg6[%dma_wait3A_392, %dma_wait3A_393, %dma_wait3A_394, %dma_wait3A_395] : memref<4x2x200x64xf32, #tpu.memory_space<vmem>> -> memref<1x1x200x64xf32, #tpu.memory_space<vmem>>
    %dma_wait3A_397 = tpu.memref_squeeze %dma_wait3A_396 : memref<1x1x200x64xf32, #tpu.memory_space<vmem>> -> memref<200x64xf32, #tpu.memory_space<vmem>>
    %dma_wait3A_398 = arith.constant 0 : i32
    %dma_wait3A_399 = tpu.memref_slice %arg5[%dma_wait3A_398] : memref<25600xi32, #tpu.memory_space<vmem>> -> memref<200xi32, #tpu.memory_space<vmem>>
    %dma_wait3A_400 = arith.constant 0 : i32
    %dma_wait3A_401 = arith.constant 0 : i32
    %dma_wait3A_402 = tpu.memref_slice %arg3[%dma_wait3A_400, %dma_wait3A_401] : memref<2000000x64xf32, #tpu.memory_space<hbm>> -> memref<2000000x64xf32, #tpu.memory_space<hbm>>
    tpu.wait_indirect_dma semaphore(%arg7 : memref<!tpu.dma_semaphore, #tpu.memory_space<semaphore_mem>>) src(%dma_wait3A_402 : memref<2000000x64xf32, #tpu.memory_space<hbm>>) dst(%dma_wait3A_397 : memref<200x64xf32, #tpu.memory_space<vmem>>)
    %dma_wait3A_403 = arith.constant 3 : i32
    %dma_wait3A_404 = arith.constant 1 : i32
    %dma_wait3A_405 = arith.constant 0 : i32
    %dma_wait3A_406 = arith.constant 0 : i32
    %dma_wait3A_407 = tpu.memref_slice %arg6[%dma_wait3A_403, %dma_wait3A_404, %dma_wait3A_405, %dma_wait3A_406] : memref<4x2x200x64xf32, #tpu.memory_space<vmem>> -> memref<1x1x200x64xf32, #tpu.memory_space<vmem>>
    %dma_wait3A_408 = tpu.memref_squeeze %dma_wait3A_407 : memref<1x1x200x64xf32, #tpu.memory_space<vmem>> -> memref<200x64xf32, #tpu.memory_space<vmem>>
    %dma_wait3A_409 = arith.constant 0 : i32
    %dma_wait3A_410 = tpu.memref_slice %arg5[%dma_wait3A_409] : memref<25600xi32, #tpu.memory_space<vmem>> -> memref<200xi32, #tpu.memory_space<vmem>>
    %dma_wait3A_411 = arith.constant 0 : i32
    %dma_wait3A_412 = arith.constant 0 : i32
    %dma_wait3A_413 = tpu.memref_slice %arg3[%dma_wait3A_411, %dma_wait3A_412] : memref<2000000x64xf32, #tpu.memory_space<hbm>> -> memref<2000000x64xf32, #tpu.memory_space<hbm>>
    tpu.wait_indirect_dma semaphore(%arg7 : memref<!tpu.dma_semaphore, #tpu.memory_space<semaphore_mem>>) src(%dma_wait3A_413 : memref<2000000x64xf32, #tpu.memory_space<hbm>>) dst(%dma_wait3A_408 : memref<200x64xf32, #tpu.memory_space<vmem>>)
    %add3A_414 = arith.constant 1200 : i32
    %add3A_415 = arith.addi %multiple_of3A, %add3A_414 : i32
    %jit3A_416 = arith.constant 200 : i32
    %div3A_417 = arith.divsi %add3A_415, %jit3A_416 : i32
    %sign3A_418 = arith.constant 0 : i32
    %sign3A_419 = arith.cmpi sgt, %add3A_415, %sign3A_418 : i32
    %sign3A_420 = arith.extui %sign3A_419 : i1 to i32
    %sign3A_421 = arith.constant 0 : i32
    %sign3A_422 = arith.cmpi slt, %add3A_415, %sign3A_421 : i32
    %sign3A_423 = arith.extui %sign3A_422 : i1 to i32
    %sign3A_424 = arith.subi %sign3A_420, %sign3A_423 : i32
    %sign3A_425 = arith.constant 0 : i32
    %sign3A_426 = arith.cmpi sgt, %jit3A_416, %sign3A_425 : i32
    %sign3A_427 = arith.extui %sign3A_426 : i1 to i32
    %sign3A_428 = arith.constant 0 : i32
    %sign3A_429 = arith.cmpi slt, %jit3A_416, %sign3A_428 : i32
    %sign3A_430 = arith.extui %sign3A_429 : i1 to i32
    %sign3A_431 = arith.subi %sign3A_427, %sign3A_430 : i32
    %ne3A_432 = arith.cmpi ne, %sign3A_424, %sign3A_431 : i32
    %rem3A_433 = arith.remsi %add3A_415, %jit3A_416 : i32
    %ne3A_434 = arith.constant 0 : i32
    %ne3A_435 = arith.cmpi ne, %rem3A_433, %ne3A_434 : i32
    %and3A_436 = arith.andi %ne3A_432, %ne3A_435 : i1
    %sub3A_437 = arith.constant 1 : i32
    %sub3A_438 = arith.subi %div3A_417, %sub3A_437 : i32
    %select_n3A_439 = arith.select %and3A_436, %sub3A_438, %div3A_417 : i32
    %multiple_of3A_440 = tpu.assume_multiple %select_n3A_439, 2 : i32
    %dma_start3A_441 = arith.constant 3 : i32
    %dma_start3A_442 = arith.constant 0 : i32
    %dma_start3A_443 = arith.constant 0 : i32
    %dma_start3A_444 = arith.constant 0 : i32
    %dma_start3A_445 = tpu.memref_slice %arg6[%dma_start3A_441, %dma_start3A_442, %dma_start3A_443, %dma_start3A_444] : memref<4x2x200x64xf32, #tpu.memory_space<vmem>> -> memref<1x2x200x64xf32, #tpu.memory_space<vmem>>
    %dma_start3A_446 = tpu.memref_squeeze %dma_start3A_445 : memref<1x2x200x64xf32, #tpu.memory_space<vmem>> -> memref<2x200x64xf32, #tpu.memory_space<vmem>>
    %dma_start3A_447 = arith.constant 0 : i32
    %dma_start3A_448 = arith.constant 0 : i32
    %dma_start3A_449 = tpu.memref_slice %arg4[%multiple_of3A_440, %dma_start3A_447, %dma_start3A_448] : memref<4096x200x128xf32, #tpu.memory_space<hbm>> -> memref<2x200x64xf32, #tpu.memory_space<hbm>>
    %dma_start3A_450 = arith.constant 0 : i32
    %dma_start3A_451 = arith.constant 0 : i32
    %dma_start3A_452 = tpu.memref_slice %arg4[%multiple_of3A_440, %dma_start3A_450, %dma_start3A_451] : memref<4096x200x128xf32, #tpu.memory_space<hbm>> -> memref<2x200x64xf32, #tpu.memory_space<hbm>>
    %dma_start3A_453 = arith.constant 0 : i32
    %dma_start3A_454 = arith.constant 0 : i32
    %dma_start3A_455 = arith.constant 0 : i32
    %dma_start3A_456 = tpu.memref_slice %arg6[%dma_start3A_441, %dma_start3A_453, %dma_start3A_454, %dma_start3A_455] : memref<4x2x200x64xf32, #tpu.memory_space<vmem>> -> memref<1x2x200x64xf32, #tpu.memory_space<vmem>>
    %dma_start3A_457 = tpu.memref_squeeze %dma_start3A_456 : memref<1x2x200x64xf32, #tpu.memory_space<vmem>> -> memref<2x200x64xf32, #tpu.memory_space<vmem>>
    tpu.enqueue_dma source(%dma_start3A_457 : memref<2x200x64xf32, #tpu.memory_space<vmem>>) target(%dma_start3A_452 : memref<2x200x64xf32, #tpu.memory_space<hbm>>) target_semaphore(%arg8 : memref<!tpu.dma_semaphore, #tpu.memory_space<semaphore_mem>>)
    %multiple_of3A_458 = arith.constant 2400 : i32
    %multiple_of3A_459 = tpu.assume_multiple %multiple_of3A_458, 8 : i32
    %dma_start3A_460 = arith.constant 2 : i32
    %dma_start3A_461 = arith.constant 0 : i32
    %dma_start3A_462 = arith.constant 0 : i32
    %dma_start3A_463 = arith.constant 0 : i32
    %dma_start3A_464 = tpu.memref_slice %arg6[%dma_start3A_460, %dma_start3A_461, %dma_start3A_462, %dma_start3A_463] : memref<4x2x200x64xf32, #tpu.memory_space<vmem>> -> memref<1x1x200x64xf32, #tpu.memory_space<vmem>>
    %dma_start3A_465 = tpu.memref_squeeze %dma_start3A_464 : memref<1x1x200x64xf32, #tpu.memory_space<vmem>> -> memref<200x64xf32, #tpu.memory_space<vmem>>
    %dma_start3A_466 = tpu.memref_slice %arg5[%multiple_of3A_459] : memref<25600xi32, #tpu.memory_space<vmem>> -> memref<200xi32, #tpu.memory_space<vmem>>
    %dma_start3A_467 = arith.constant 0 : i32
    %dma_start3A_468 = arith.constant 0 : i32
    %dma_start3A_469 = tpu.memref_slice %arg3[%dma_start3A_467, %dma_start3A_468] : memref<2000000x64xf32, #tpu.memory_space<hbm>> -> memref<2000000x64xf32, #tpu.memory_space<hbm>>
    tpu.enqueue_indirect_dma source(%dma_start3A_469 : memref<2000000x64xf32, #tpu.memory_space<hbm>>) target(%dma_start3A_465 : memref<200x64xf32, #tpu.memory_space<vmem>>) offsets(%dma_start3A_466 : memref<200xi32, #tpu.memory_space<vmem>>) semaphore(%arg7 : memref<!tpu.dma_semaphore, #tpu.memory_space<semaphore_mem>>)
    %multiple_of3A_470 = arith.constant 2600 : i32
    %multiple_of3A_471 = tpu.assume_multiple %multiple_of3A_470, 8 : i32
    %dma_start3A_472 = arith.constant 2 : i32
    %dma_start3A_473 = arith.constant 1 : i32
    %dma_start3A_474 = arith.constant 0 : i32
    %dma_start3A_475 = arith.constant 0 : i32
    %dma_start3A_476 = tpu.memref_slice %arg6[%dma_start3A_472, %dma_start3A_473, %dma_start3A_474, %dma_start3A_475] : memref<4x2x200x64xf32, #tpu.memory_space<vmem>> -> memref<1x1x200x64xf32, #tpu.memory_space<vmem>>
    %dma_start3A_477 = tpu.memref_squeeze %dma_start3A_476 : memref<1x1x200x64xf32, #tpu.memory_space<vmem>> -> memref<200x64xf32, #tpu.memory_space<vmem>>
    %dma_start3A_478 = tpu.memref_slice %arg5[%multiple_of3A_471] : memref<25600xi32, #tpu.memory_space<vmem>> -> memref<200xi32, #tpu.memory_space<vmem>>
    %dma_start3A_479 = arith.constant 0 : i32
    %dma_start3A_480 = arith.constant 0 : i32
    %dma_start3A_481 = tpu.memref_slice %arg3[%dma_start3A_479, %dma_start3A_480] : memref<2000000x64xf32, #tpu.memory_space<hbm>> -> memref<2000000x64xf32, #tpu.memory_space<hbm>>
    tpu.enqueue_indirect_dma source(%dma_start3A_481 : memref<2000000x64xf32, #tpu.memory_space<hbm>>) target(%dma_start3A_477 : memref<200x64xf32, #tpu.memory_space<vmem>>) offsets(%dma_start3A_478 : memref<200xi32, #tpu.memory_space<vmem>>) semaphore(%arg7 : memref<!tpu.dma_semaphore, #tpu.memory_space<semaphore_mem>>)
    %scan3A = arith.constant 1 : i32
    %scan3A_482 = arith.constant 14 : i32
    %scan3A_483 = arith.addi %scan3A, %scan3A_482 : i32
    %scan3A_484 = arith.constant 1 : i32
    scf.for %scan3A_869 = %scan3A to %scan3A_483 step %scan3A_484  : i32 {
      %mul3A_870 = arith.constant 4 : i32
      %mul3A_871 = arith.muli %scan3A_869, %mul3A_870 : i32
      %add3A_872 = arith.constant 0 : i32
      %add3A_873 = arith.addi %mul3A_871, %add3A_872 : i32
      %dma_wait3A_874 = arith.constant 0 : i32
      %dma_wait3A_875 = arith.constant 0 : i32
      %dma_wait3A_876 = arith.constant 0 : i32
      %dma_wait3A_877 = arith.constant 0 : i32
      %dma_wait3A_878 = tpu.memref_slice %arg6[%dma_wait3A_874, %dma_wait3A_875, %dma_wait3A_876, %dma_wait3A_877] : memref<4x2x200x64xf32, #tpu.memory_space<vmem>> -> memref<1x2x200x64xf32, #tpu.memory_space<vmem>>
      %dma_wait3A_879 = tpu.memref_squeeze %dma_wait3A_878 : memref<1x2x200x64xf32, #tpu.memory_space<vmem>> -> memref<2x200x64xf32, #tpu.memory_space<vmem>>
      %dma_wait3A_880 = arith.constant 0 : i32
      %dma_wait3A_881 = arith.constant 0 : i32
      %dma_wait3A_882 = arith.constant 0 : i32
      %dma_wait3A_883 = tpu.memref_slice %arg4[%dma_wait3A_880, %dma_wait3A_881, %dma_wait3A_882] : memref<4096x200x128xf32, #tpu.memory_space<hbm>> -> memref<2x200x64xf32, #tpu.memory_space<hbm>>
      %dma_wait3A_884 = arith.constant 0 : i32
      %dma_wait3A_885 = arith.constant 0 : i32
      %dma_wait3A_886 = arith.constant 0 : i32
      %dma_wait3A_887 = tpu.memref_slice %arg4[%dma_wait3A_884, %dma_wait3A_885, %dma_wait3A_886] : memref<4096x200x128xf32, #tpu.memory_space<hbm>> -> memref<2x200x64xf32, #tpu.memory_space<hbm>>
      %dma_wait3A_888 = arith.constant 0 : i32
      %dma_wait3A_889 = arith.constant 0 : i32
      %dma_wait3A_890 = arith.constant 0 : i32
      %dma_wait3A_891 = tpu.memref_slice %arg6[%dma_wait3A_874, %dma_wait3A_888, %dma_wait3A_889, %dma_wait3A_890] : memref<4x2x200x64xf32, #tpu.memory_space<vmem>> -> memref<1x2x200x64xf32, #tpu.memory_space<vmem>>
      %dma_wait3A_892 = tpu.memref_squeeze %dma_wait3A_891 : memref<1x2x200x64xf32, #tpu.memory_space<vmem>> -> memref<2x200x64xf32, #tpu.memory_space<vmem>>
      tpu.wait_dma2 semaphore(%arg8 : memref<!tpu.dma_semaphore, #tpu.memory_space<semaphore_mem>>) src(%dma_wait3A_892 : memref<2x200x64xf32, #tpu.memory_space<vmem>>) dst(%dma_wait3A_887 : memref<2x200x64xf32, #tpu.memory_space<hbm>>)
      %dma_wait3A_893 = arith.constant 0 : i32
      %dma_wait3A_894 = arith.constant 0 : i32
      %dma_wait3A_895 = arith.constant 0 : i32
      %dma_wait3A_896 = arith.constant 0 : i32
      %dma_wait3A_897 = tpu.memref_slice %arg6[%dma_wait3A_893, %dma_wait3A_894, %dma_wait3A_895, %dma_wait3A_896] : memref<4x2x200x64xf32, #tpu.memory_space<vmem>> -> memref<1x1x200x64xf32, #tpu.memory_space<vmem>>
      %dma_wait3A_898 = tpu.memref_squeeze %dma_wait3A_897 : memref<1x1x200x64xf32, #tpu.memory_space<vmem>> -> memref<200x64xf32, #tpu.memory_space<vmem>>
      %dma_wait3A_899 = arith.constant 0 : i32
      %dma_wait3A_900 = tpu.memref_slice %arg5[%dma_wait3A_899] : memref<25600xi32, #tpu.memory_space<vmem>> -> memref<200xi32, #tpu.memory_space<vmem>>
      %dma_wait3A_901 = arith.constant 0 : i32
      %dma_wait3A_902 = arith.constant 0 : i32
      %dma_wait3A_903 = tpu.memref_slice %arg3[%dma_wait3A_901, %dma_wait3A_902] : memref<2000000x64xf32, #tpu.memory_space<hbm>> -> memref<2000000x64xf32, #tpu.memory_space<hbm>>
      tpu.wait_indirect_dma semaphore(%arg7 : memref<!tpu.dma_semaphore, #tpu.memory_space<semaphore_mem>>) src(%dma_wait3A_903 : memref<2000000x64xf32, #tpu.memory_space<hbm>>) dst(%dma_wait3A_898 : memref<200x64xf32, #tpu.memory_space<vmem>>)
      %dma_wait3A_904 = arith.constant 0 : i32
      %dma_wait3A_905 = arith.constant 1 : i32
      %dma_wait3A_906 = arith.constant 0 : i32
      %dma_wait3A_907 = arith.constant 0 : i32
      %dma_wait3A_908 = tpu.memref_slice %arg6[%dma_wait3A_904, %dma_wait3A_905, %dma_wait3A_906, %dma_wait3A_907] : memref<4x2x200x64xf32, #tpu.memory_space<vmem>> -> memref<1x1x200x64xf32, #tpu.memory_space<vmem>>
      %dma_wait3A_909 = tpu.memref_squeeze %dma_wait3A_908 : memref<1x1x200x64xf32, #tpu.memory_space<vmem>> -> memref<200x64xf32, #tpu.memory_space<vmem>>
      %dma_wait3A_910 = arith.constant 0 : i32
      %dma_wait3A_911 = tpu.memref_slice %arg5[%dma_wait3A_910] : memref<25600xi32, #tpu.memory_space<vmem>> -> memref<200xi32, #tpu.memory_space<vmem>>
      %dma_wait3A_912 = arith.constant 0 : i32
      %dma_wait3A_913 = arith.constant 0 : i32
      %dma_wait3A_914 = tpu.memref_slice %arg3[%dma_wait3A_912, %dma_wait3A_913] : memref<2000000x64xf32, #tpu.memory_space<hbm>> -> memref<2000000x64xf32, #tpu.memory_space<hbm>>
      tpu.wait_indirect_dma semaphore(%arg7 : memref<!tpu.dma_semaphore, #tpu.memory_space<semaphore_mem>>) src(%dma_wait3A_914 : memref<2000000x64xf32, #tpu.memory_space<hbm>>) dst(%dma_wait3A_909 : memref<200x64xf32, #tpu.memory_space<vmem>>)
      %mul3A_915 = arith.constant 400 : i32
      %mul3A_916 = arith.muli %add3A_873, %mul3A_915 : i32
      %add3A_917 = arith.addi %multiple_of3A, %mul3A_916 : i32
      %jit3A_918 = arith.constant 200 : i32
      %div3A_919 = arith.divsi %add3A_917, %jit3A_918 : i32
      %sign3A_920 = arith.constant 0 : i32
      %sign3A_921 = arith.cmpi sgt, %add3A_917, %sign3A_920 : i32
      %sign3A_922 = arith.extui %sign3A_921 : i1 to i32
      %sign3A_923 = arith.constant 0 : i32
      %sign3A_924 = arith.cmpi slt, %add3A_917, %sign3A_923 : i32
      %sign3A_925 = arith.extui %sign3A_924 : i1 to i32
      %sign3A_926 = arith.subi %sign3A_922, %sign3A_925 : i32
      %sign3A_927 = arith.constant 0 : i32
      %sign3A_928 = arith.cmpi sgt, %jit3A_918, %sign3A_927 : i32
      %sign3A_929 = arith.extui %sign3A_928 : i1 to i32
      %sign3A_930 = arith.constant 0 : i32
      %sign3A_931 = arith.cmpi slt, %jit3A_918, %sign3A_930 : i32
      %sign3A_932 = arith.extui %sign3A_931 : i1 to i32
      %sign3A_933 = arith.subi %sign3A_929, %sign3A_932 : i32
      %ne3A_934 = arith.cmpi ne, %sign3A_926, %sign3A_933 : i32
      %rem3A_935 = arith.remsi %add3A_917, %jit3A_918 : i32
      %ne3A_936 = arith.constant 0 : i32
      %ne3A_937 = arith.cmpi ne, %rem3A_935, %ne3A_936 : i32
      %and3A_938 = arith.andi %ne3A_934, %ne3A_937 : i1
      %sub3A_939 = arith.constant 1 : i32
      %sub3A_940 = arith.subi %div3A_919, %sub3A_939 : i32
      %select_n3A_941 = arith.select %and3A_938, %sub3A_940, %div3A_919 : i32
      %multiple_of3A_942 = tpu.assume_multiple %select_n3A_941, 2 : i32
      %dma_start3A_943 = arith.constant 0 : i32
      %dma_start3A_944 = arith.constant 0 : i32
      %dma_start3A_945 = arith.constant 0 : i32
      %dma_start3A_946 = arith.constant 0 : i32
      %dma_start3A_947 = tpu.memref_slice %arg6[%dma_start3A_943, %dma_start3A_944, %dma_start3A_945, %dma_start3A_946] : memref<4x2x200x64xf32, #tpu.memory_space<vmem>> -> memref<1x2x200x64xf32, #tpu.memory_space<vmem>>
      %dma_start3A_948 = tpu.memref_squeeze %dma_start3A_947 : memref<1x2x200x64xf32, #tpu.memory_space<vmem>> -> memref<2x200x64xf32, #tpu.memory_space<vmem>>
      %dma_start3A_949 = arith.constant 0 : i32
      %dma_start3A_950 = arith.constant 0 : i32
      %dma_start3A_951 = tpu.memref_slice %arg4[%multiple_of3A_942, %dma_start3A_949, %dma_start3A_950] : memref<4096x200x128xf32, #tpu.memory_space<hbm>> -> memref<2x200x64xf32, #tpu.memory_space<hbm>>
      %dma_start3A_952 = arith.constant 0 : i32
      %dma_start3A_953 = arith.constant 0 : i32
      %dma_start3A_954 = tpu.memref_slice %arg4[%multiple_of3A_942, %dma_start3A_952, %dma_start3A_953] : memref<4096x200x128xf32, #tpu.memory_space<hbm>> -> memref<2x200x64xf32, #tpu.memory_space<hbm>>
      %dma_start3A_955 = arith.constant 0 : i32
      %dma_start3A_956 = arith.constant 0 : i32
      %dma_start3A_957 = arith.constant 0 : i32
      %dma_start3A_958 = tpu.memref_slice %arg6[%dma_start3A_943, %dma_start3A_955, %dma_start3A_956, %dma_start3A_957] : memref<4x2x200x64xf32, #tpu.memory_space<vmem>> -> memref<1x2x200x64xf32, #tpu.memory_space<vmem>>
      %dma_start3A_959 = tpu.memref_squeeze %dma_start3A_958 : memref<1x2x200x64xf32, #tpu.memory_space<vmem>> -> memref<2x200x64xf32, #tpu.memory_space<vmem>>
      tpu.enqueue_dma source(%dma_start3A_959 : memref<2x200x64xf32, #tpu.memory_space<vmem>>) target(%dma_start3A_954 : memref<2x200x64xf32, #tpu.memory_space<hbm>>) target_semaphore(%arg8 : memref<!tpu.dma_semaphore, #tpu.memory_space<semaphore_mem>>)
      %add3A_960 = arith.constant 3 : i32
      %add3A_961 = arith.addi %add3A_873, %add3A_960 : i32
      %mul3A_962 = arith.constant 400 : i32
      %mul3A_963 = arith.muli %add3A_961, %mul3A_962 : i32
      %add3A_964 = arith.constant 0 : i32
      %add3A_965 = arith.addi %mul3A_963, %add3A_964 : i32
      %multiple_of3A_966 = tpu.assume_multiple %add3A_965, 8 : i32
      %dma_start3A_967 = arith.constant 3 : i32
      %dma_start3A_968 = arith.constant 0 : i32
      %dma_start3A_969 = arith.constant 0 : i32
      %dma_start3A_970 = arith.constant 0 : i32
      %dma_start3A_971 = tpu.memref_slice %arg6[%dma_start3A_967, %dma_start3A_968, %dma_start3A_969, %dma_start3A_970] : memref<4x2x200x64xf32, #tpu.memory_space<vmem>> -> memref<1x1x200x64xf32, #tpu.memory_space<vmem>>
      %dma_start3A_972 = tpu.memref_squeeze %dma_start3A_971 : memref<1x1x200x64xf32, #tpu.memory_space<vmem>> -> memref<200x64xf32, #tpu.memory_space<vmem>>
      %dma_start3A_973 = tpu.memref_slice %arg5[%multiple_of3A_966] : memref<25600xi32, #tpu.memory_space<vmem>> -> memref<200xi32, #tpu.memory_space<vmem>>
      %dma_start3A_974 = arith.constant 0 : i32
      %dma_start3A_975 = arith.constant 0 : i32
      %dma_start3A_976 = tpu.memref_slice %arg3[%dma_start3A_974, %dma_start3A_975] : memref<2000000x64xf32, #tpu.memory_space<hbm>> -> memref<2000000x64xf32, #tpu.memory_space<hbm>>
      tpu.enqueue_indirect_dma source(%dma_start3A_976 : memref<2000000x64xf32, #tpu.memory_space<hbm>>) target(%dma_start3A_972 : memref<200x64xf32, #tpu.memory_space<vmem>>) offsets(%dma_start3A_973 : memref<200xi32, #tpu.memory_space<vmem>>) semaphore(%arg7 : memref<!tpu.dma_semaphore, #tpu.memory_space<semaphore_mem>>)
      %mul3A_977 = arith.constant 400 : i32
      %mul3A_978 = arith.muli %add3A_961, %mul3A_977 : i32
      %add3A_979 = arith.constant 200 : i32
      %add3A_980 = arith.addi %mul3A_978, %add3A_979 : i32
      %multiple_of3A_981 = tpu.assume_multiple %add3A_980, 8 : i32
      %dma_start3A_982 = arith.constant 3 : i32
      %dma_start3A_983 = arith.constant 1 : i32
      %dma_start3A_984 = arith.constant 0 : i32
      %dma_start3A_985 = arith.constant 0 : i32
      %dma_start3A_986 = tpu.memref_slice %arg6[%dma_start3A_982, %dma_start3A_983, %dma_start3A_984, %dma_start3A_985] : memref<4x2x200x64xf32, #tpu.memory_space<vmem>> -> memref<1x1x200x64xf32, #tpu.memory_space<vmem>>
      %dma_start3A_987 = tpu.memref_squeeze %dma_start3A_986 : memref<1x1x200x64xf32, #tpu.memory_space<vmem>> -> memref<200x64xf32, #tpu.memory_space<vmem>>
      %dma_start3A_988 = tpu.memref_slice %arg5[%multiple_of3A_981] : memref<25600xi32, #tpu.memory_space<vmem>> -> memref<200xi32, #tpu.memory_space<vmem>>
      %dma_start3A_989 = arith.constant 0 : i32
      %dma_start3A_990 = arith.constant 0 : i32
      %dma_start3A_991 = tpu.memref_slice %arg3[%dma_start3A_989, %dma_start3A_990] : memref<2000000x64xf32, #tpu.memory_space<hbm>> -> memref<2000000x64xf32, #tpu.memory_space<hbm>>
      tpu.enqueue_indirect_dma source(%dma_start3A_991 : memref<2000000x64xf32, #tpu.memory_space<hbm>>) target(%dma_start3A_987 : memref<200x64xf32, #tpu.memory_space<vmem>>) offsets(%dma_start3A_988 : memref<200xi32, #tpu.memory_space<vmem>>) semaphore(%arg7 : memref<!tpu.dma_semaphore, #tpu.memory_space<semaphore_mem>>)
      %mul3A_992 = arith.constant 4 : i32
      %mul3A_993 = arith.muli %scan3A_869, %mul3A_992 : i32
      %add3A_994 = arith.constant 1 : i32
      %add3A_995 = arith.addi %mul3A_993, %add3A_994 : i32
      %dma_wait3A_996 = arith.constant 0 : i32
      %dma_wait3A_997 = arith.constant 0 : i32
      %dma_wait3A_998 = arith.constant 0 : i32
      %dma_wait3A_999 = arith.constant 0 : i32
      %dma_wait3A_1000 = tpu.memref_slice %arg6[%dma_wait3A_996, %dma_wait3A_997, %dma_wait3A_998, %dma_wait3A_999] : memref<4x2x200x64xf32, #tpu.memory_space<vmem>> -> memref<1x2x200x64xf32, #tpu.memory_space<vmem>>
      %dma_wait3A_1001 = tpu.memref_squeeze %dma_wait3A_1000 : memref<1x2x200x64xf32, #tpu.memory_space<vmem>> -> memref<2x200x64xf32, #tpu.memory_space<vmem>>
      %dma_wait3A_1002 = arith.constant 0 : i32
      %dma_wait3A_1003 = arith.constant 0 : i32
      %dma_wait3A_1004 = arith.constant 0 : i32
      %dma_wait3A_1005 = tpu.memref_slice %arg4[%dma_wait3A_1002, %dma_wait3A_1003, %dma_wait3A_1004] : memref<4096x200x128xf32, #tpu.memory_space<hbm>> -> memref<2x200x64xf32, #tpu.memory_space<hbm>>
      %dma_wait3A_1006 = arith.constant 0 : i32
      %dma_wait3A_1007 = arith.constant 0 : i32
      %dma_wait3A_1008 = arith.constant 0 : i32
      %dma_wait3A_1009 = tpu.memref_slice %arg4[%dma_wait3A_1006, %dma_wait3A_1007, %dma_wait3A_1008] : memref<4096x200x128xf32, #tpu.memory_space<hbm>> -> memref<2x200x64xf32, #tpu.memory_space<hbm>>
      %dma_wait3A_1010 = arith.constant 0 : i32
      %dma_wait3A_1011 = arith.constant 0 : i32
      %dma_wait3A_1012 = arith.constant 0 : i32
      %dma_wait3A_1013 = tpu.memref_slice %arg6[%dma_wait3A_996, %dma_wait3A_1010, %dma_wait3A_1011, %dma_wait3A_1012] : memref<4x2x200x64xf32, #tpu.memory_space<vmem>> -> memref<1x2x200x64xf32, #tpu.memory_space<vmem>>
      %dma_wait3A_1014 = tpu.memref_squeeze %dma_wait3A_1013 : memref<1x2x200x64xf32, #tpu.memory_space<vmem>> -> memref<2x200x64xf32, #tpu.memory_space<vmem>>
      tpu.wait_dma2 semaphore(%arg8 : memref<!tpu.dma_semaphore, #tpu.memory_space<semaphore_mem>>) src(%dma_wait3A_1014 : memref<2x200x64xf32, #tpu.memory_space<vmem>>) dst(%dma_wait3A_1009 : memref<2x200x64xf32, #tpu.memory_space<hbm>>)
      %dma_wait3A_1015 = arith.constant 1 : i32
      %dma_wait3A_1016 = arith.constant 0 : i32
      %dma_wait3A_1017 = arith.constant 0 : i32
      %dma_wait3A_1018 = arith.constant 0 : i32
      %dma_wait3A_1019 = tpu.memref_slice %arg6[%dma_wait3A_1015, %dma_wait3A_1016, %dma_wait3A_1017, %dma_wait3A_1018] : memref<4x2x200x64xf32, #tpu.memory_space<vmem>> -> memref<1x1x200x64xf32, #tpu.memory_space<vmem>>
      %dma_wait3A_1020 = tpu.memref_squeeze %dma_wait3A_1019 : memref<1x1x200x64xf32, #tpu.memory_space<vmem>> -> memref<200x64xf32, #tpu.memory_space<vmem>>
      %dma_wait3A_1021 = arith.constant 0 : i32
      %dma_wait3A_1022 = tpu.memref_slice %arg5[%dma_wait3A_1021] : memref<25600xi32, #tpu.memory_space<vmem>> -> memref<200xi32, #tpu.memory_space<vmem>>
      %dma_wait3A_1023 = arith.constant 0 : i32
      %dma_wait3A_1024 = arith.constant 0 : i32
      %dma_wait3A_1025 = tpu.memref_slice %arg3[%dma_wait3A_1023, %dma_wait3A_1024] : memref<2000000x64xf32, #tpu.memory_space<hbm>> -> memref<2000000x64xf32, #tpu.memory_space<hbm>>
      tpu.wait_indirect_dma semaphore(%arg7 : memref<!tpu.dma_semaphore, #tpu.memory_space<semaphore_mem>>) src(%dma_wait3A_1025 : memref<2000000x64xf32, #tpu.memory_space<hbm>>) dst(%dma_wait3A_1020 : memref<200x64xf32, #tpu.memory_space<vmem>>)
      %dma_wait3A_1026 = arith.constant 1 : i32
      %dma_wait3A_1027 = arith.constant 1 : i32
      %dma_wait3A_1028 = arith.constant 0 : i32
      %dma_wait3A_1029 = arith.constant 0 : i32
      %dma_wait3A_1030 = tpu.memref_slice %arg6[%dma_wait3A_1026, %dma_wait3A_1027, %dma_wait3A_1028, %dma_wait3A_1029] : memref<4x2x200x64xf32, #tpu.memory_space<vmem>> -> memref<1x1x200x64xf32, #tpu.memory_space<vmem>>
      %dma_wait3A_1031 = tpu.memref_squeeze %dma_wait3A_1030 : memref<1x1x200x64xf32, #tpu.memory_space<vmem>> -> memref<200x64xf32, #tpu.memory_space<vmem>>
      %dma_wait3A_1032 = arith.constant 0 : i32
      %dma_wait3A_1033 = tpu.memref_slice %arg5[%dma_wait3A_1032] : memref<25600xi32, #tpu.memory_space<vmem>> -> memref<200xi32, #tpu.memory_space<vmem>>
      %dma_wait3A_1034 = arith.constant 0 : i32
      %dma_wait3A_1035 = arith.constant 0 : i32
      %dma_wait3A_1036 = tpu.memref_slice %arg3[%dma_wait3A_1034, %dma_wait3A_1035] : memref<2000000x64xf32, #tpu.memory_space<hbm>> -> memref<2000000x64xf32, #tpu.memory_space<hbm>>
      tpu.wait_indirect_dma semaphore(%arg7 : memref<!tpu.dma_semaphore, #tpu.memory_space<semaphore_mem>>) src(%dma_wait3A_1036 : memref<2000000x64xf32, #tpu.memory_space<hbm>>) dst(%dma_wait3A_1031 : memref<200x64xf32, #tpu.memory_space<vmem>>)
      %mul3A_1037 = arith.constant 400 : i32
      %mul3A_1038 = arith.muli %add3A_995, %mul3A_1037 : i32
      %add3A_1039 = arith.addi %multiple_of3A, %mul3A_1038 : i32
      %jit3A_1040 = arith.constant 200 : i32
      %div3A_1041 = arith.divsi %add3A_1039, %jit3A_1040 : i32
      %sign3A_1042 = arith.constant 0 : i32
      %sign3A_1043 = arith.cmpi sgt, %add3A_1039, %sign3A_1042 : i32
      %sign3A_1044 = arith.extui %sign3A_1043 : i1 to i32
      %sign3A_1045 = arith.constant 0 : i32
      %sign3A_1046 = arith.cmpi slt, %add3A_1039, %sign3A_1045 : i32
      %sign3A_1047 = arith.extui %sign3A_1046 : i1 to i32
      %sign3A_1048 = arith.subi %sign3A_1044, %sign3A_1047 : i32
      %sign3A_1049 = arith.constant 0 : i32
      %sign3A_1050 = arith.cmpi sgt, %jit3A_1040, %sign3A_1049 : i32
      %sign3A_1051 = arith.extui %sign3A_1050 : i1 to i32
      %sign3A_1052 = arith.constant 0 : i32
      %sign3A_1053 = arith.cmpi slt, %jit3A_1040, %sign3A_1052 : i32
      %sign3A_1054 = arith.extui %sign3A_1053 : i1 to i32
      %sign3A_1055 = arith.subi %sign3A_1051, %sign3A_1054 : i32
      %ne3A_1056 = arith.cmpi ne, %sign3A_1048, %sign3A_1055 : i32
      %rem3A_1057 = arith.remsi %add3A_1039, %jit3A_1040 : i32
      %ne3A_1058 = arith.constant 0 : i32
      %ne3A_1059 = arith.cmpi ne, %rem3A_1057, %ne3A_1058 : i32
      %and3A_1060 = arith.andi %ne3A_1056, %ne3A_1059 : i1
      %sub3A_1061 = arith.constant 1 : i32
      %sub3A_1062 = arith.subi %div3A_1041, %sub3A_1061 : i32
      %select_n3A_1063 = arith.select %and3A_1060, %sub3A_1062, %div3A_1041 : i32
      %multiple_of3A_1064 = tpu.assume_multiple %select_n3A_1063, 2 : i32
      %dma_start3A_1065 = arith.constant 1 : i32
      %dma_start3A_1066 = arith.constant 0 : i32
      %dma_start3A_1067 = arith.constant 0 : i32
      %dma_start3A_1068 = arith.constant 0 : i32
      %dma_start3A_1069 = tpu.memref_slice %arg6[%dma_start3A_1065, %dma_start3A_1066, %dma_start3A_1067, %dma_start3A_1068] : memref<4x2x200x64xf32, #tpu.memory_space<vmem>> -> memref<1x2x200x64xf32, #tpu.memory_space<vmem>>
      %dma_start3A_1070 = tpu.memref_squeeze %dma_start3A_1069 : memref<1x2x200x64xf32, #tpu.memory_space<vmem>> -> memref<2x200x64xf32, #tpu.memory_space<vmem>>
      %dma_start3A_1071 = arith.constant 0 : i32
      %dma_start3A_1072 = arith.constant 0 : i32
      %dma_start3A_1073 = tpu.memref_slice %arg4[%multiple_of3A_1064, %dma_start3A_1071, %dma_start3A_1072] : memref<4096x200x128xf32, #tpu.memory_space<hbm>> -> memref<2x200x64xf32, #tpu.memory_space<hbm>>
      %dma_start3A_1074 = arith.constant 0 : i32
      %dma_start3A_1075 = arith.constant 0 : i32
      %dma_start3A_1076 = tpu.memref_slice %arg4[%multiple_of3A_1064, %dma_start3A_1074, %dma_start3A_1075] : memref<4096x200x128xf32, #tpu.memory_space<hbm>> -> memref<2x200x64xf32, #tpu.memory_space<hbm>>
      %dma_start3A_1077 = arith.constant 0 : i32
      %dma_start3A_1078 = arith.constant 0 : i32
      %dma_start3A_1079 = arith.constant 0 : i32
      %dma_start3A_1080 = tpu.memref_slice %arg6[%dma_start3A_1065, %dma_start3A_1077, %dma_start3A_1078, %dma_start3A_1079] : memref<4x2x200x64xf32, #tpu.memory_space<vmem>> -> memref<1x2x200x64xf32, #tpu.memory_space<vmem>>
      %dma_start3A_1081 = tpu.memref_squeeze %dma_start3A_1080 : memref<1x2x200x64xf32, #tpu.memory_space<vmem>> -> memref<2x200x64xf32, #tpu.memory_space<vmem>>
      tpu.enqueue_dma source(%dma_start3A_1081 : memref<2x200x64xf32, #tpu.memory_space<vmem>>) target(%dma_start3A_1076 : memref<2x200x64xf32, #tpu.memory_space<hbm>>) target_semaphore(%arg8 : memref<!tpu.dma_semaphore, #tpu.memory_space<semaphore_mem>>)
      %add3A_1082 = arith.constant 3 : i32
      %add3A_1083 = arith.addi %add3A_995, %add3A_1082 : i32
      %mul3A_1084 = arith.constant 400 : i32
      %mul3A_1085 = arith.muli %add3A_1083, %mul3A_1084 : i32
      %add3A_1086 = arith.constant 0 : i32
      %add3A_1087 = arith.addi %mul3A_1085, %add3A_1086 : i32
      %multiple_of3A_1088 = tpu.assume_multiple %add3A_1087, 8 : i32
      %dma_start3A_1089 = arith.constant 0 : i32
      %dma_start3A_1090 = arith.constant 0 : i32
      %dma_start3A_1091 = arith.constant 0 : i32
      %dma_start3A_1092 = arith.constant 0 : i32
      %dma_start3A_1093 = tpu.memref_slice %arg6[%dma_start3A_1089, %dma_start3A_1090, %dma_start3A_1091, %dma_start3A_1092] : memref<4x2x200x64xf32, #tpu.memory_space<vmem>> -> memref<1x1x200x64xf32, #tpu.memory_space<vmem>>
      %dma_start3A_1094 = tpu.memref_squeeze %dma_start3A_1093 : memref<1x1x200x64xf32, #tpu.memory_space<vmem>> -> memref<200x64xf32, #tpu.memory_space<vmem>>
      %dma_start3A_1095 = tpu.memref_slice %arg5[%multiple_of3A_1088] : memref<25600xi32, #tpu.memory_space<vmem>> -> memref<200xi32, #tpu.memory_space<vmem>>
      %dma_start3A_1096 = arith.constant 0 : i32
      %dma_start3A_1097 = arith.constant 0 : i32
      %dma_start3A_1098 = tpu.memref_slice %arg3[%dma_start3A_1096, %dma_start3A_1097] : memref<2000000x64xf32, #tpu.memory_space<hbm>> -> memref<2000000x64xf32, #tpu.memory_space<hbm>>
      tpu.enqueue_indirect_dma source(%dma_start3A_1098 : memref<2000000x64xf32, #tpu.memory_space<hbm>>) target(%dma_start3A_1094 : memref<200x64xf32, #tpu.memory_space<vmem>>) offsets(%dma_start3A_1095 : memref<200xi32, #tpu.memory_space<vmem>>) semaphore(%arg7 : memref<!tpu.dma_semaphore, #tpu.memory_space<semaphore_mem>>)
      %mul3A_1099 = arith.constant 400 : i32
      %mul3A_1100 = arith.muli %add3A_1083, %mul3A_1099 : i32
      %add3A_1101 = arith.constant 200 : i32
      %add3A_1102 = arith.addi %mul3A_1100, %add3A_1101 : i32
      %multiple_of3A_1103 = tpu.assume_multiple %add3A_1102, 8 : i32
      %dma_start3A_1104 = arith.constant 0 : i32
      %dma_start3A_1105 = arith.constant 1 : i32
      %dma_start3A_1106 = arith.constant 0 : i32
      %dma_start3A_1107 = arith.constant 0 : i32
      %dma_start3A_1108 = tpu.memref_slice %arg6[%dma_start3A_1104, %dma_start3A_1105, %dma_start3A_1106, %dma_start3A_1107] : memref<4x2x200x64xf32, #tpu.memory_space<vmem>> -> memref<1x1x200x64xf32, #tpu.memory_space<vmem>>
      %dma_start3A_1109 = tpu.memref_squeeze %dma_start3A_1108 : memref<1x1x200x64xf32, #tpu.memory_space<vmem>> -> memref<200x64xf32, #tpu.memory_space<vmem>>
      %dma_start3A_1110 = tpu.memref_slice %arg5[%multiple_of3A_1103] : memref<25600xi32, #tpu.memory_space<vmem>> -> memref<200xi32, #tpu.memory_space<vmem>>
      %dma_start3A_1111 = arith.constant 0 : i32
      %dma_start3A_1112 = arith.constant 0 : i32
      %dma_start3A_1113 = tpu.memref_slice %arg3[%dma_start3A_1111, %dma_start3A_1112] : memref<2000000x64xf32, #tpu.memory_space<hbm>> -> memref<2000000x64xf32, #tpu.memory_space<hbm>>
      tpu.enqueue_indirect_dma source(%dma_start3A_1113 : memref<2000000x64xf32, #tpu.memory_space<hbm>>) target(%dma_start3A_1109 : memref<200x64xf32, #tpu.memory_space<vmem>>) offsets(%dma_start3A_1110 : memref<200xi32, #tpu.memory_space<vmem>>) semaphore(%arg7 : memref<!tpu.dma_semaphore, #tpu.memory_space<semaphore_mem>>)
      %mul3A_1114 = arith.constant 4 : i32
      %mul3A_1115 = arith.muli %scan3A_869, %mul3A_1114 : i32
      %add3A_1116 = arith.constant 2 : i32
      %add3A_1117 = arith.addi %mul3A_1115, %add3A_1116 : i32
      %dma_wait3A_1118 = arith.constant 0 : i32
      %dma_wait3A_1119 = arith.constant 0 : i32
      %dma_wait3A_1120 = arith.constant 0 : i32
      %dma_wait3A_1121 = arith.constant 0 : i32
      %dma_wait3A_1122 = tpu.memref_slice %arg6[%dma_wait3A_1118, %dma_wait3A_1119, %dma_wait3A_1120, %dma_wait3A_1121] : memref<4x2x200x64xf32, #tpu.memory_space<vmem>> -> memref<1x2x200x64xf32, #tpu.memory_space<vmem>>
      %dma_wait3A_1123 = tpu.memref_squeeze %dma_wait3A_1122 : memref<1x2x200x64xf32, #tpu.memory_space<vmem>> -> memref<2x200x64xf32, #tpu.memory_space<vmem>>
      %dma_wait3A_1124 = arith.constant 0 : i32
      %dma_wait3A_1125 = arith.constant 0 : i32
      %dma_wait3A_1126 = arith.constant 0 : i32
      %dma_wait3A_1127 = tpu.memref_slice %arg4[%dma_wait3A_1124, %dma_wait3A_1125, %dma_wait3A_1126] : memref<4096x200x128xf32, #tpu.memory_space<hbm>> -> memref<2x200x64xf32, #tpu.memory_space<hbm>>
      %dma_wait3A_1128 = arith.constant 0 : i32
      %dma_wait3A_1129 = arith.constant 0 : i32
      %dma_wait3A_1130 = arith.constant 0 : i32
      %dma_wait3A_1131 = tpu.memref_slice %arg4[%dma_wait3A_1128, %dma_wait3A_1129, %dma_wait3A_1130] : memref<4096x200x128xf32, #tpu.memory_space<hbm>> -> memref<2x200x64xf32, #tpu.memory_space<hbm>>
      %dma_wait3A_1132 = arith.constant 0 : i32
      %dma_wait3A_1133 = arith.constant 0 : i32
      %dma_wait3A_1134 = arith.constant 0 : i32
      %dma_wait3A_1135 = tpu.memref_slice %arg6[%dma_wait3A_1118, %dma_wait3A_1132, %dma_wait3A_1133, %dma_wait3A_1134] : memref<4x2x200x64xf32, #tpu.memory_space<vmem>> -> memref<1x2x200x64xf32, #tpu.memory_space<vmem>>
      %dma_wait3A_1136 = tpu.memref_squeeze %dma_wait3A_1135 : memref<1x2x200x64xf32, #tpu.memory_space<vmem>> -> memref<2x200x64xf32, #tpu.memory_space<vmem>>
      tpu.wait_dma2 semaphore(%arg8 : memref<!tpu.dma_semaphore, #tpu.memory_space<semaphore_mem>>) src(%dma_wait3A_1136 : memref<2x200x64xf32, #tpu.memory_space<vmem>>) dst(%dma_wait3A_1131 : memref<2x200x64xf32, #tpu.memory_space<hbm>>)
      %dma_wait3A_1137 = arith.constant 2 : i32
      %dma_wait3A_1138 = arith.constant 0 : i32
      %dma_wait3A_1139 = arith.constant 0 : i32
      %dma_wait3A_1140 = arith.constant 0 : i32
      %dma_wait3A_1141 = tpu.memref_slice %arg6[%dma_wait3A_1137, %dma_wait3A_1138, %dma_wait3A_1139, %dma_wait3A_1140] : memref<4x2x200x64xf32, #tpu.memory_space<vmem>> -> memref<1x1x200x64xf32, #tpu.memory_space<vmem>>
      %dma_wait3A_1142 = tpu.memref_squeeze %dma_wait3A_1141 : memref<1x1x200x64xf32, #tpu.memory_space<vmem>> -> memref<200x64xf32, #tpu.memory_space<vmem>>
      %dma_wait3A_1143 = arith.constant 0 : i32
      %dma_wait3A_1144 = tpu.memref_slice %arg5[%dma_wait3A_1143] : memref<25600xi32, #tpu.memory_space<vmem>> -> memref<200xi32, #tpu.memory_space<vmem>>
      %dma_wait3A_1145 = arith.constant 0 : i32
      %dma_wait3A_1146 = arith.constant 0 : i32
      %dma_wait3A_1147 = tpu.memref_slice %arg3[%dma_wait3A_1145, %dma_wait3A_1146] : memref<2000000x64xf32, #tpu.memory_space<hbm>> -> memref<2000000x64xf32, #tpu.memory_space<hbm>>
      tpu.wait_indirect_dma semaphore(%arg7 : memref<!tpu.dma_semaphore, #tpu.memory_space<semaphore_mem>>) src(%dma_wait3A_1147 : memref<2000000x64xf32, #tpu.memory_space<hbm>>) dst(%dma_wait3A_1142 : memref<200x64xf32, #tpu.memory_space<vmem>>)
      %dma_wait3A_1148 = arith.constant 2 : i32
      %dma_wait3A_1149 = arith.constant 1 : i32
      %dma_wait3A_1150 = arith.constant 0 : i32
      %dma_wait3A_1151 = arith.constant 0 : i32
      %dma_wait3A_1152 = tpu.memref_slice %arg6[%dma_wait3A_1148, %dma_wait3A_1149, %dma_wait3A_1150, %dma_wait3A_1151] : memref<4x2x200x64xf32, #tpu.memory_space<vmem>> -> memref<1x1x200x64xf32, #tpu.memory_space<vmem>>
      %dma_wait3A_1153 = tpu.memref_squeeze %dma_wait3A_1152 : memref<1x1x200x64xf32, #tpu.memory_space<vmem>> -> memref<200x64xf32, #tpu.memory_space<vmem>>
      %dma_wait3A_1154 = arith.constant 0 : i32
      %dma_wait3A_1155 = tpu.memref_slice %arg5[%dma_wait3A_1154] : memref<25600xi32, #tpu.memory_space<vmem>> -> memref<200xi32, #tpu.memory_space<vmem>>
      %dma_wait3A_1156 = arith.constant 0 : i32
      %dma_wait3A_1157 = arith.constant 0 : i32
      %dma_wait3A_1158 = tpu.memref_slice %arg3[%dma_wait3A_1156, %dma_wait3A_1157] : memref<2000000x64xf32, #tpu.memory_space<hbm>> -> memref<2000000x64xf32, #tpu.memory_space<hbm>>
      tpu.wait_indirect_dma semaphore(%arg7 : memref<!tpu.dma_semaphore, #tpu.memory_space<semaphore_mem>>) src(%dma_wait3A_1158 : memref<2000000x64xf32, #tpu.memory_space<hbm>>) dst(%dma_wait3A_1153 : memref<200x64xf32, #tpu.memory_space<vmem>>)
      %mul3A_1159 = arith.constant 400 : i32
      %mul3A_1160 = arith.muli %add3A_1117, %mul3A_1159 : i32
      %add3A_1161 = arith.addi %multiple_of3A, %mul3A_1160 : i32
      %jit3A_1162 = arith.constant 200 : i32
      %div3A_1163 = arith.divsi %add3A_1161, %jit3A_1162 : i32
      %sign3A_1164 = arith.constant 0 : i32
      %sign3A_1165 = arith.cmpi sgt, %add3A_1161, %sign3A_1164 : i32
      %sign3A_1166 = arith.extui %sign3A_1165 : i1 to i32
      %sign3A_1167 = arith.constant 0 : i32
      %sign3A_1168 = arith.cmpi slt, %add3A_1161, %sign3A_1167 : i32
      %sign3A_1169 = arith.extui %sign3A_1168 : i1 to i32
      %sign3A_1170 = arith.subi %sign3A_1166, %sign3A_1169 : i32
      %sign3A_1171 = arith.constant 0 : i32
      %sign3A_1172 = arith.cmpi sgt, %jit3A_1162, %sign3A_1171 : i32
      %sign3A_1173 = arith.extui %sign3A_1172 : i1 to i32
      %sign3A_1174 = arith.constant 0 : i32
      %sign3A_1175 = arith.cmpi slt, %jit3A_1162, %sign3A_1174 : i32
      %sign3A_1176 = arith.extui %sign3A_1175 : i1 to i32
      %sign3A_1177 = arith.subi %sign3A_1173, %sign3A_1176 : i32
      %ne3A_1178 = arith.cmpi ne, %sign3A_1170, %sign3A_1177 : i32
      %rem3A_1179 = arith.remsi %add3A_1161, %jit3A_1162 : i32
      %ne3A_1180 = arith.constant 0 : i32
      %ne3A_1181 = arith.cmpi ne, %rem3A_1179, %ne3A_1180 : i32
      %and3A_1182 = arith.andi %ne3A_1178, %ne3A_1181 : i1
      %sub3A_1183 = arith.constant 1 : i32
      %sub3A_1184 = arith.subi %div3A_1163, %sub3A_1183 : i32
      %select_n3A_1185 = arith.select %and3A_1182, %sub3A_1184, %div3A_1163 : i32
      %multiple_of3A_1186 = tpu.assume_multiple %select_n3A_1185, 2 : i32
      %dma_start3A_1187 = arith.constant 2 : i32
      %dma_start3A_1188 = arith.constant 0 : i32
      %dma_start3A_1189 = arith.constant 0 : i32
      %dma_start3A_1190 = arith.constant 0 : i32
      %dma_start3A_1191 = tpu.memref_slice %arg6[%dma_start3A_1187, %dma_start3A_1188, %dma_start3A_1189, %dma_start3A_1190] : memref<4x2x200x64xf32, #tpu.memory_space<vmem>> -> memref<1x2x200x64xf32, #tpu.memory_space<vmem>>
      %dma_start3A_1192 = tpu.memref_squeeze %dma_start3A_1191 : memref<1x2x200x64xf32, #tpu.memory_space<vmem>> -> memref<2x200x64xf32, #tpu.memory_space<vmem>>
      %dma_start3A_1193 = arith.constant 0 : i32
      %dma_start3A_1194 = arith.constant 0 : i32
      %dma_start3A_1195 = tpu.memref_slice %arg4[%multiple_of3A_1186, %dma_start3A_1193, %dma_start3A_1194] : memref<4096x200x128xf32, #tpu.memory_space<hbm>> -> memref<2x200x64xf32, #tpu.memory_space<hbm>>
      %dma_start3A_1196 = arith.constant 0 : i32
      %dma_start3A_1197 = arith.constant 0 : i32
      %dma_start3A_1198 = tpu.memref_slice %arg4[%multiple_of3A_1186, %dma_start3A_1196, %dma_start3A_1197] : memref<4096x200x128xf32, #tpu.memory_space<hbm>> -> memref<2x200x64xf32, #tpu.memory_space<hbm>>
      %dma_start3A_1199 = arith.constant 0 : i32
      %dma_start3A_1200 = arith.constant 0 : i32
      %dma_start3A_1201 = arith.constant 0 : i32
      %dma_start3A_1202 = tpu.memref_slice %arg6[%dma_start3A_1187, %dma_start3A_1199, %dma_start3A_1200, %dma_start3A_1201] : memref<4x2x200x64xf32, #tpu.memory_space<vmem>> -> memref<1x2x200x64xf32, #tpu.memory_space<vmem>>
      %dma_start3A_1203 = tpu.memref_squeeze %dma_start3A_1202 : memref<1x2x200x64xf32, #tpu.memory_space<vmem>> -> memref<2x200x64xf32, #tpu.memory_space<vmem>>
      tpu.enqueue_dma source(%dma_start3A_1203 : memref<2x200x64xf32, #tpu.memory_space<vmem>>) target(%dma_start3A_1198 : memref<2x200x64xf32, #tpu.memory_space<hbm>>) target_semaphore(%arg8 : memref<!tpu.dma_semaphore, #tpu.memory_space<semaphore_mem>>)
      %add3A_1204 = arith.constant 3 : i32
      %add3A_1205 = arith.addi %add3A_1117, %add3A_1204 : i32
      %mul3A_1206 = arith.constant 400 : i32
      %mul3A_1207 = arith.muli %add3A_1205, %mul3A_1206 : i32
      %add3A_1208 = arith.constant 0 : i32
      %add3A_1209 = arith.addi %mul3A_1207, %add3A_1208 : i32
      %multiple_of3A_1210 = tpu.assume_multiple %add3A_1209, 8 : i32
      %dma_start3A_1211 = arith.constant 1 : i32
      %dma_start3A_1212 = arith.constant 0 : i32
      %dma_start3A_1213 = arith.constant 0 : i32
      %dma_start3A_1214 = arith.constant 0 : i32
      %dma_start3A_1215 = tpu.memref_slice %arg6[%dma_start3A_1211, %dma_start3A_1212, %dma_start3A_1213, %dma_start3A_1214] : memref<4x2x200x64xf32, #tpu.memory_space<vmem>> -> memref<1x1x200x64xf32, #tpu.memory_space<vmem>>
      %dma_start3A_1216 = tpu.memref_squeeze %dma_start3A_1215 : memref<1x1x200x64xf32, #tpu.memory_space<vmem>> -> memref<200x64xf32, #tpu.memory_space<vmem>>
      %dma_start3A_1217 = tpu.memref_slice %arg5[%multiple_of3A_1210] : memref<25600xi32, #tpu.memory_space<vmem>> -> memref<200xi32, #tpu.memory_space<vmem>>
      %dma_start3A_1218 = arith.constant 0 : i32
      %dma_start3A_1219 = arith.constant 0 : i32
      %dma_start3A_1220 = tpu.memref_slice %arg3[%dma_start3A_1218, %dma_start3A_1219] : memref<2000000x64xf32, #tpu.memory_space<hbm>> -> memref<2000000x64xf32, #tpu.memory_space<hbm>>
      tpu.enqueue_indirect_dma source(%dma_start3A_1220 : memref<2000000x64xf32, #tpu.memory_space<hbm>>) target(%dma_start3A_1216 : memref<200x64xf32, #tpu.memory_space<vmem>>) offsets(%dma_start3A_1217 : memref<200xi32, #tpu.memory_space<vmem>>) semaphore(%arg7 : memref<!tpu.dma_semaphore, #tpu.memory_space<semaphore_mem>>)
      %mul3A_1221 = arith.constant 400 : i32
      %mul3A_1222 = arith.muli %add3A_1205, %mul3A_1221 : i32
      %add3A_1223 = arith.constant 200 : i32
      %add3A_1224 = arith.addi %mul3A_1222, %add3A_1223 : i32
      %multiple_of3A_1225 = tpu.assume_multiple %add3A_1224, 8 : i32
      %dma_start3A_1226 = arith.constant 1 : i32
      %dma_start3A_1227 = arith.constant 1 : i32
      %dma_start3A_1228 = arith.constant 0 : i32
      %dma_start3A_1229 = arith.constant 0 : i32
      %dma_start3A_1230 = tpu.memref_slice %arg6[%dma_start3A_1226, %dma_start3A_1227, %dma_start3A_1228, %dma_start3A_1229] : memref<4x2x200x64xf32, #tpu.memory_space<vmem>> -> memref<1x1x200x64xf32, #tpu.memory_space<vmem>>
      %dma_start3A_1231 = tpu.memref_squeeze %dma_start3A_1230 : memref<1x1x200x64xf32, #tpu.memory_space<vmem>> -> memref<200x64xf32, #tpu.memory_space<vmem>>
      %dma_start3A_1232 = tpu.memref_slice %arg5[%multiple_of3A_1225] : memref<25600xi32, #tpu.memory_space<vmem>> -> memref<200xi32, #tpu.memory_space<vmem>>
      %dma_start3A_1233 = arith.constant 0 : i32
      %dma_start3A_1234 = arith.constant 0 : i32
      %dma_start3A_1235 = tpu.memref_slice %arg3[%dma_start3A_1233, %dma_start3A_1234] : memref<2000000x64xf32, #tpu.memory_space<hbm>> -> memref<2000000x64xf32, #tpu.memory_space<hbm>>
      tpu.enqueue_indirect_dma source(%dma_start3A_1235 : memref<2000000x64xf32, #tpu.memory_space<hbm>>) target(%dma_start3A_1231 : memref<200x64xf32, #tpu.memory_space<vmem>>) offsets(%dma_start3A_1232 : memref<200xi32, #tpu.memory_space<vmem>>) semaphore(%arg7 : memref<!tpu.dma_semaphore, #tpu.memory_space<semaphore_mem>>)
      %mul3A_1236 = arith.constant 4 : i32
      %mul3A_1237 = arith.muli %scan3A_869, %mul3A_1236 : i32
      %add3A_1238 = arith.constant 3 : i32
      %add3A_1239 = arith.addi %mul3A_1237, %add3A_1238 : i32
      %dma_wait3A_1240 = arith.constant 0 : i32
      %dma_wait3A_1241 = arith.constant 0 : i32
      %dma_wait3A_1242 = arith.constant 0 : i32
      %dma_wait3A_1243 = arith.constant 0 : i32
      %dma_wait3A_1244 = tpu.memref_slice %arg6[%dma_wait3A_1240, %dma_wait3A_1241, %dma_wait3A_1242, %dma_wait3A_1243] : memref<4x2x200x64xf32, #tpu.memory_space<vmem>> -> memref<1x2x200x64xf32, #tpu.memory_space<vmem>>
      %dma_wait3A_1245 = tpu.memref_squeeze %dma_wait3A_1244 : memref<1x2x200x64xf32, #tpu.memory_space<vmem>> -> memref<2x200x64xf32, #tpu.memory_space<vmem>>
      %dma_wait3A_1246 = arith.constant 0 : i32
      %dma_wait3A_1247 = arith.constant 0 : i32
      %dma_wait3A_1248 = arith.constant 0 : i32
      %dma_wait3A_1249 = tpu.memref_slice %arg4[%dma_wait3A_1246, %dma_wait3A_1247, %dma_wait3A_1248] : memref<4096x200x128xf32, #tpu.memory_space<hbm>> -> memref<2x200x64xf32, #tpu.memory_space<hbm>>
      %dma_wait3A_1250 = arith.constant 0 : i32
      %dma_wait3A_1251 = arith.constant 0 : i32
      %dma_wait3A_1252 = arith.constant 0 : i32
      %dma_wait3A_1253 = tpu.memref_slice %arg4[%dma_wait3A_1250, %dma_wait3A_1251, %dma_wait3A_1252] : memref<4096x200x128xf32, #tpu.memory_space<hbm>> -> memref<2x200x64xf32, #tpu.memory_space<hbm>>
      %dma_wait3A_1254 = arith.constant 0 : i32
      %dma_wait3A_1255 = arith.constant 0 : i32
      %dma_wait3A_1256 = arith.constant 0 : i32
      %dma_wait3A_1257 = tpu.memref_slice %arg6[%dma_wait3A_1240, %dma_wait3A_1254, %dma_wait3A_1255, %dma_wait3A_1256] : memref<4x2x200x64xf32, #tpu.memory_space<vmem>> -> memref<1x2x200x64xf32, #tpu.memory_space<vmem>>
      %dma_wait3A_1258 = tpu.memref_squeeze %dma_wait3A_1257 : memref<1x2x200x64xf32, #tpu.memory_space<vmem>> -> memref<2x200x64xf32, #tpu.memory_space<vmem>>
      tpu.wait_dma2 semaphore(%arg8 : memref<!tpu.dma_semaphore, #tpu.memory_space<semaphore_mem>>) src(%dma_wait3A_1258 : memref<2x200x64xf32, #tpu.memory_space<vmem>>) dst(%dma_wait3A_1253 : memref<2x200x64xf32, #tpu.memory_space<hbm>>)
      %dma_wait3A_1259 = arith.constant 3 : i32
      %dma_wait3A_1260 = arith.constant 0 : i32
      %dma_wait3A_1261 = arith.constant 0 : i32
      %dma_wait3A_1262 = arith.constant 0 : i32
      %dma_wait3A_1263 = tpu.memref_slice %arg6[%dma_wait3A_1259, %dma_wait3A_1260, %dma_wait3A_1261, %dma_wait3A_1262] : memref<4x2x200x64xf32, #tpu.memory_space<vmem>> -> memref<1x1x200x64xf32, #tpu.memory_space<vmem>>
      %dma_wait3A_1264 = tpu.memref_squeeze %dma_wait3A_1263 : memref<1x1x200x64xf32, #tpu.memory_space<vmem>> -> memref<200x64xf32, #tpu.memory_space<vmem>>
      %dma_wait3A_1265 = arith.constant 0 : i32
      %dma_wait3A_1266 = tpu.memref_slice %arg5[%dma_wait3A_1265] : memref<25600xi32, #tpu.memory_space<vmem>> -> memref<200xi32, #tpu.memory_space<vmem>>
      %dma_wait3A_1267 = arith.constant 0 : i32
      %dma_wait3A_1268 = arith.constant 0 : i32
      %dma_wait3A_1269 = tpu.memref_slice %arg3[%dma_wait3A_1267, %dma_wait3A_1268] : memref<2000000x64xf32, #tpu.memory_space<hbm>> -> memref<2000000x64xf32, #tpu.memory_space<hbm>>
      tpu.wait_indirect_dma semaphore(%arg7 : memref<!tpu.dma_semaphore, #tpu.memory_space<semaphore_mem>>) src(%dma_wait3A_1269 : memref<2000000x64xf32, #tpu.memory_space<hbm>>) dst(%dma_wait3A_1264 : memref<200x64xf32, #tpu.memory_space<vmem>>)
      %dma_wait3A_1270 = arith.constant 3 : i32
      %dma_wait3A_1271 = arith.constant 1 : i32
      %dma_wait3A_1272 = arith.constant 0 : i32
      %dma_wait3A_1273 = arith.constant 0 : i32
      %dma_wait3A_1274 = tpu.memref_slice %arg6[%dma_wait3A_1270, %dma_wait3A_1271, %dma_wait3A_1272, %dma_wait3A_1273] : memref<4x2x200x64xf32, #tpu.memory_space<vmem>> -> memref<1x1x200x64xf32, #tpu.memory_space<vmem>>
      %dma_wait3A_1275 = tpu.memref_squeeze %dma_wait3A_1274 : memref<1x1x200x64xf32, #tpu.memory_space<vmem>> -> memref<200x64xf32, #tpu.memory_space<vmem>>
      %dma_wait3A_1276 = arith.constant 0 : i32
      %dma_wait3A_1277 = tpu.memref_slice %arg5[%dma_wait3A_1276] : memref<25600xi32, #tpu.memory_space<vmem>> -> memref<200xi32, #tpu.memory_space<vmem>>
      %dma_wait3A_1278 = arith.constant 0 : i32
      %dma_wait3A_1279 = arith.constant 0 : i32
      %dma_wait3A_1280 = tpu.memref_slice %arg3[%dma_wait3A_1278, %dma_wait3A_1279] : memref<2000000x64xf32, #tpu.memory_space<hbm>> -> memref<2000000x64xf32, #tpu.memory_space<hbm>>
      tpu.wait_indirect_dma semaphore(%arg7 : memref<!tpu.dma_semaphore, #tpu.memory_space<semaphore_mem>>) src(%dma_wait3A_1280 : memref<2000000x64xf32, #tpu.memory_space<hbm>>) dst(%dma_wait3A_1275 : memref<200x64xf32, #tpu.memory_space<vmem>>)
      %mul3A_1281 = arith.constant 400 : i32
      %mul3A_1282 = arith.muli %add3A_1239, %mul3A_1281 : i32
      %add3A_1283 = arith.addi %multiple_of3A, %mul3A_1282 : i32
      %jit3A_1284 = arith.constant 200 : i32
      %div3A_1285 = arith.divsi %add3A_1283, %jit3A_1284 : i32
      %sign3A_1286 = arith.constant 0 : i32
      %sign3A_1287 = arith.cmpi sgt, %add3A_1283, %sign3A_1286 : i32
      %sign3A_1288 = arith.extui %sign3A_1287 : i1 to i32
      %sign3A_1289 = arith.constant 0 : i32
      %sign3A_1290 = arith.cmpi slt, %add3A_1283, %sign3A_1289 : i32
      %sign3A_1291 = arith.extui %sign3A_1290 : i1 to i32
      %sign3A_1292 = arith.subi %sign3A_1288, %sign3A_1291 : i32
      %sign3A_1293 = arith.constant 0 : i32
      %sign3A_1294 = arith.cmpi sgt, %jit3A_1284, %sign3A_1293 : i32
      %sign3A_1295 = arith.extui %sign3A_1294 : i1 to i32
      %sign3A_1296 = arith.constant 0 : i32
      %sign3A_1297 = arith.cmpi slt, %jit3A_1284, %sign3A_1296 : i32
      %sign3A_1298 = arith.extui %sign3A_1297 : i1 to i32
      %sign3A_1299 = arith.subi %sign3A_1295, %sign3A_1298 : i32
      %ne3A_1300 = arith.cmpi ne, %sign3A_1292, %sign3A_1299 : i32
      %rem3A_1301 = arith.remsi %add3A_1283, %jit3A_1284 : i32
      %ne3A_1302 = arith.constant 0 : i32
      %ne3A_1303 = arith.cmpi ne, %rem3A_1301, %ne3A_1302 : i32
      %and3A_1304 = arith.andi %ne3A_1300, %ne3A_1303 : i1
      %sub3A_1305 = arith.constant 1 : i32
      %sub3A_1306 = arith.subi %div3A_1285, %sub3A_1305 : i32
      %select_n3A_1307 = arith.select %and3A_1304, %sub3A_1306, %div3A_1285 : i32
      %multiple_of3A_1308 = tpu.assume_multiple %select_n3A_1307, 2 : i32
      %dma_start3A_1309 = arith.constant 3 : i32
      %dma_start3A_1310 = arith.constant 0 : i32
      %dma_start3A_1311 = arith.constant 0 : i32
      %dma_start3A_1312 = arith.constant 0 : i32
      %dma_start3A_1313 = tpu.memref_slice %arg6[%dma_start3A_1309, %dma_start3A_1310, %dma_start3A_1311, %dma_start3A_1312] : memref<4x2x200x64xf32, #tpu.memory_space<vmem>> -> memref<1x2x200x64xf32, #tpu.memory_space<vmem>>
      %dma_start3A_1314 = tpu.memref_squeeze %dma_start3A_1313 : memref<1x2x200x64xf32, #tpu.memory_space<vmem>> -> memref<2x200x64xf32, #tpu.memory_space<vmem>>
      %dma_start3A_1315 = arith.constant 0 : i32
      %dma_start3A_1316 = arith.constant 0 : i32
      %dma_start3A_1317 = tpu.memref_slice %arg4[%multiple_of3A_1308, %dma_start3A_1315, %dma_start3A_1316] : memref<4096x200x128xf32, #tpu.memory_space<hbm>> -> memref<2x200x64xf32, #tpu.memory_space<hbm>>
      %dma_start3A_1318 = arith.constant 0 : i32
      %dma_start3A_1319 = arith.constant 0 : i32
      %dma_start3A_1320 = tpu.memref_slice %arg4[%multiple_of3A_1308, %dma_start3A_1318, %dma_start3A_1319] : memref<4096x200x128xf32, #tpu.memory_space<hbm>> -> memref<2x200x64xf32, #tpu.memory_space<hbm>>
      %dma_start3A_1321 = arith.constant 0 : i32
      %dma_start3A_1322 = arith.constant 0 : i32
      %dma_start3A_1323 = arith.constant 0 : i32
      %dma_start3A_1324 = tpu.memref_slice %arg6[%dma_start3A_1309, %dma_start3A_1321, %dma_start3A_1322, %dma_start3A_1323] : memref<4x2x200x64xf32, #tpu.memory_space<vmem>> -> memref<1x2x200x64xf32, #tpu.memory_space<vmem>>
      %dma_start3A_1325 = tpu.memref_squeeze %dma_start3A_1324 : memref<1x2x200x64xf32, #tpu.memory_space<vmem>> -> memref<2x200x64xf32, #tpu.memory_space<vmem>>
      tpu.enqueue_dma source(%dma_start3A_1325 : memref<2x200x64xf32, #tpu.memory_space<vmem>>) target(%dma_start3A_1320 : memref<2x200x64xf32, #tpu.memory_space<hbm>>) target_semaphore(%arg8 : memref<!tpu.dma_semaphore, #tpu.memory_space<semaphore_mem>>)
      %add3A_1326 = arith.constant 3 : i32
      %add3A_1327 = arith.addi %add3A_1239, %add3A_1326 : i32
      %mul3A_1328 = arith.constant 400 : i32
      %mul3A_1329 = arith.muli %add3A_1327, %mul3A_1328 : i32
      %add3A_1330 = arith.constant 0 : i32
      %add3A_1331 = arith.addi %mul3A_1329, %add3A_1330 : i32
      %multiple_of3A_1332 = tpu.assume_multiple %add3A_1331, 8 : i32
      %dma_start3A_1333 = arith.constant 2 : i32
      %dma_start3A_1334 = arith.constant 0 : i32
      %dma_start3A_1335 = arith.constant 0 : i32
      %dma_start3A_1336 = arith.constant 0 : i32
      %dma_start3A_1337 = tpu.memref_slice %arg6[%dma_start3A_1333, %dma_start3A_1334, %dma_start3A_1335, %dma_start3A_1336] : memref<4x2x200x64xf32, #tpu.memory_space<vmem>> -> memref<1x1x200x64xf32, #tpu.memory_space<vmem>>
      %dma_start3A_1338 = tpu.memref_squeeze %dma_start3A_1337 : memref<1x1x200x64xf32, #tpu.memory_space<vmem>> -> memref<200x64xf32, #tpu.memory_space<vmem>>
      %dma_start3A_1339 = tpu.memref_slice %arg5[%multiple_of3A_1332] : memref<25600xi32, #tpu.memory_space<vmem>> -> memref<200xi32, #tpu.memory_space<vmem>>
      %dma_start3A_1340 = arith.constant 0 : i32
      %dma_start3A_1341 = arith.constant 0 : i32
      %dma_start3A_1342 = tpu.memref_slice %arg3[%dma_start3A_1340, %dma_start3A_1341] : memref<2000000x64xf32, #tpu.memory_space<hbm>> -> memref<2000000x64xf32, #tpu.memory_space<hbm>>
      tpu.enqueue_indirect_dma source(%dma_start3A_1342 : memref<2000000x64xf32, #tpu.memory_space<hbm>>) target(%dma_start3A_1338 : memref<200x64xf32, #tpu.memory_space<vmem>>) offsets(%dma_start3A_1339 : memref<200xi32, #tpu.memory_space<vmem>>) semaphore(%arg7 : memref<!tpu.dma_semaphore, #tpu.memory_space<semaphore_mem>>)
      %mul3A_1343 = arith.constant 400 : i32
      %mul3A_1344 = arith.muli %add3A_1327, %mul3A_1343 : i32
      %add3A_1345 = arith.constant 200 : i32
      %add3A_1346 = arith.addi %mul3A_1344, %add3A_1345 : i32
      %multiple_of3A_1347 = tpu.assume_multiple %add3A_1346, 8 : i32
      %dma_start3A_1348 = arith.constant 2 : i32
      %dma_start3A_1349 = arith.constant 1 : i32
      %dma_start3A_1350 = arith.constant 0 : i32
      %dma_start3A_1351 = arith.constant 0 : i32
      %dma_start3A_1352 = tpu.memref_slice %arg6[%dma_start3A_1348, %dma_start3A_1349, %dma_start3A_1350, %dma_start3A_1351] : memref<4x2x200x64xf32, #tpu.memory_space<vmem>> -> memref<1x1x200x64xf32, #tpu.memory_space<vmem>>
      %dma_start3A_1353 = tpu.memref_squeeze %dma_start3A_1352 : memref<1x1x200x64xf32, #tpu.memory_space<vmem>> -> memref<200x64xf32, #tpu.memory_space<vmem>>
      %dma_start3A_1354 = tpu.memref_slice %arg5[%multiple_of3A_1347] : memref<25600xi32, #tpu.memory_space<vmem>> -> memref<200xi32, #tpu.memory_space<vmem>>
      %dma_start3A_1355 = arith.constant 0 : i32
      %dma_start3A_1356 = arith.constant 0 : i32
      %dma_start3A_1357 = tpu.memref_slice %arg3[%dma_start3A_1355, %dma_start3A_1356] : memref<2000000x64xf32, #tpu.memory_space<hbm>> -> memref<2000000x64xf32, #tpu.memory_space<hbm>>
      tpu.enqueue_indirect_dma source(%dma_start3A_1357 : memref<2000000x64xf32, #tpu.memory_space<hbm>>) target(%dma_start3A_1353 : memref<200x64xf32, #tpu.memory_space<vmem>>) offsets(%dma_start3A_1354 : memref<200xi32, #tpu.memory_space<vmem>>) semaphore(%arg7 : memref<!tpu.dma_semaphore, #tpu.memory_space<semaphore_mem>>)
    }
    %scan3A_485 = arith.constant 14 : i32
    %dma_wait3A_486 = arith.constant 0 : i32
    %dma_wait3A_487 = arith.constant 0 : i32
    %dma_wait3A_488 = arith.constant 0 : i32
    %dma_wait3A_489 = arith.constant 0 : i32
    %dma_wait3A_490 = tpu.memref_slice %arg6[%dma_wait3A_486, %dma_wait3A_487, %dma_wait3A_488, %dma_wait3A_489] : memref<4x2x200x64xf32, #tpu.memory_space<vmem>> -> memref<1x2x200x64xf32, #tpu.memory_space<vmem>>
    %dma_wait3A_491 = tpu.memref_squeeze %dma_wait3A_490 : memref<1x2x200x64xf32, #tpu.memory_space<vmem>> -> memref<2x200x64xf32, #tpu.memory_space<vmem>>
    %dma_wait3A_492 = arith.constant 0 : i32
    %dma_wait3A_493 = arith.constant 0 : i32
    %dma_wait3A_494 = arith.constant 0 : i32
    %dma_wait3A_495 = tpu.memref_slice %arg4[%dma_wait3A_492, %dma_wait3A_493, %dma_wait3A_494] : memref<4096x200x128xf32, #tpu.memory_space<hbm>> -> memref<2x200x64xf32, #tpu.memory_space<hbm>>
    %dma_wait3A_496 = arith.constant 0 : i32
    %dma_wait3A_497 = arith.constant 0 : i32
    %dma_wait3A_498 = arith.constant 0 : i32
    %dma_wait3A_499 = tpu.memref_slice %arg4[%dma_wait3A_496, %dma_wait3A_497, %dma_wait3A_498] : memref<4096x200x128xf32, #tpu.memory_space<hbm>> -> memref<2x200x64xf32, #tpu.memory_space<hbm>>
    %dma_wait3A_500 = arith.constant 0 : i32
    %dma_wait3A_501 = arith.constant 0 : i32
    %dma_wait3A_502 = arith.constant 0 : i32
    %dma_wait3A_503 = tpu.memref_slice %arg6[%dma_wait3A_486, %dma_wait3A_500, %dma_wait3A_501, %dma_wait3A_502] : memref<4x2x200x64xf32, #tpu.memory_space<vmem>> -> memref<1x2x200x64xf32, #tpu.memory_space<vmem>>
    %dma_wait3A_504 = tpu.memref_squeeze %dma_wait3A_503 : memref<1x2x200x64xf32, #tpu.memory_space<vmem>> -> memref<2x200x64xf32, #tpu.memory_space<vmem>>
    tpu.wait_dma2 semaphore(%arg8 : memref<!tpu.dma_semaphore, #tpu.memory_space<semaphore_mem>>) src(%dma_wait3A_504 : memref<2x200x64xf32, #tpu.memory_space<vmem>>) dst(%dma_wait3A_499 : memref<2x200x64xf32, #tpu.memory_space<hbm>>)
    %dma_wait3A_505 = arith.constant 0 : i32
    %dma_wait3A_506 = arith.constant 0 : i32
    %dma_wait3A_507 = arith.constant 0 : i32
    %dma_wait3A_508 = arith.constant 0 : i32
    %dma_wait3A_509 = tpu.memref_slice %arg6[%dma_wait3A_505, %dma_wait3A_506, %dma_wait3A_507, %dma_wait3A_508] : memref<4x2x200x64xf32, #tpu.memory_space<vmem>> -> memref<1x1x200x64xf32, #tpu.memory_space<vmem>>
    %dma_wait3A_510 = tpu.memref_squeeze %dma_wait3A_509 : memref<1x1x200x64xf32, #tpu.memory_space<vmem>> -> memref<200x64xf32, #tpu.memory_space<vmem>>
    %dma_wait3A_511 = arith.constant 0 : i32
    %dma_wait3A_512 = tpu.memref_slice %arg5[%dma_wait3A_511] : memref<25600xi32, #tpu.memory_space<vmem>> -> memref<200xi32, #tpu.memory_space<vmem>>
    %dma_wait3A_513 = arith.constant 0 : i32
    %dma_wait3A_514 = arith.constant 0 : i32
    %dma_wait3A_515 = tpu.memref_slice %arg3[%dma_wait3A_513, %dma_wait3A_514] : memref<2000000x64xf32, #tpu.memory_space<hbm>> -> memref<2000000x64xf32, #tpu.memory_space<hbm>>
    tpu.wait_indirect_dma semaphore(%arg7 : memref<!tpu.dma_semaphore, #tpu.memory_space<semaphore_mem>>) src(%dma_wait3A_515 : memref<2000000x64xf32, #tpu.memory_space<hbm>>) dst(%dma_wait3A_510 : memref<200x64xf32, #tpu.memory_space<vmem>>)
    %dma_wait3A_516 = arith.constant 0 : i32
    %dma_wait3A_517 = arith.constant 1 : i32
    %dma_wait3A_518 = arith.constant 0 : i32
    %dma_wait3A_519 = arith.constant 0 : i32
    %dma_wait3A_520 = tpu.memref_slice %arg6[%dma_wait3A_516, %dma_wait3A_517, %dma_wait3A_518, %dma_wait3A_519] : memref<4x2x200x64xf32, #tpu.memory_space<vmem>> -> memref<1x1x200x64xf32, #tpu.memory_space<vmem>>
    %dma_wait3A_521 = tpu.memref_squeeze %dma_wait3A_520 : memref<1x1x200x64xf32, #tpu.memory_space<vmem>> -> memref<200x64xf32, #tpu.memory_space<vmem>>
    %dma_wait3A_522 = arith.constant 0 : i32
    %dma_wait3A_523 = tpu.memref_slice %arg5[%dma_wait3A_522] : memref<25600xi32, #tpu.memory_space<vmem>> -> memref<200xi32, #tpu.memory_space<vmem>>
    %dma_wait3A_524 = arith.constant 0 : i32
    %dma_wait3A_525 = arith.constant 0 : i32
    %dma_wait3A_526 = tpu.memref_slice %arg3[%dma_wait3A_524, %dma_wait3A_525] : memref<2000000x64xf32, #tpu.memory_space<hbm>> -> memref<2000000x64xf32, #tpu.memory_space<hbm>>
    tpu.wait_indirect_dma semaphore(%arg7 : memref<!tpu.dma_semaphore, #tpu.memory_space<semaphore_mem>>) src(%dma_wait3A_526 : memref<2000000x64xf32, #tpu.memory_space<hbm>>) dst(%dma_wait3A_521 : memref<200x64xf32, #tpu.memory_space<vmem>>)
    %add3A_527 = arith.constant 24000 : i32
    %add3A_528 = arith.addi %multiple_of3A, %add3A_527 : i32
    %jit3A_529 = arith.constant 200 : i32
    %div3A_530 = arith.divsi %add3A_528, %jit3A_529 : i32
    %sign3A_531 = arith.constant 0 : i32
    %sign3A_532 = arith.cmpi sgt, %add3A_528, %sign3A_531 : i32
    %sign3A_533 = arith.extui %sign3A_532 : i1 to i32
    %sign3A_534 = arith.constant 0 : i32
    %sign3A_535 = arith.cmpi slt, %add3A_528, %sign3A_534 : i32
    %sign3A_536 = arith.extui %sign3A_535 : i1 to i32
    %sign3A_537 = arith.subi %sign3A_533, %sign3A_536 : i32
    %sign3A_538 = arith.constant 0 : i32
    %sign3A_539 = arith.cmpi sgt, %jit3A_529, %sign3A_538 : i32
    %sign3A_540 = arith.extui %sign3A_539 : i1 to i32
    %sign3A_541 = arith.constant 0 : i32
    %sign3A_542 = arith.cmpi slt, %jit3A_529, %sign3A_541 : i32
    %sign3A_543 = arith.extui %sign3A_542 : i1 to i32
    %sign3A_544 = arith.subi %sign3A_540, %sign3A_543 : i32
    %ne3A_545 = arith.cmpi ne, %sign3A_537, %sign3A_544 : i32
    %rem3A_546 = arith.remsi %add3A_528, %jit3A_529 : i32
    %ne3A_547 = arith.constant 0 : i32
    %ne3A_548 = arith.cmpi ne, %rem3A_546, %ne3A_547 : i32
    %and3A_549 = arith.andi %ne3A_545, %ne3A_548 : i1
    %sub3A_550 = arith.constant 1 : i32
    %sub3A_551 = arith.subi %div3A_530, %sub3A_550 : i32
    %select_n3A_552 = arith.select %and3A_549, %sub3A_551, %div3A_530 : i32
    %multiple_of3A_553 = tpu.assume_multiple %select_n3A_552, 2 : i32
    %dma_start3A_554 = arith.constant 0 : i32
    %dma_start3A_555 = arith.constant 0 : i32
    %dma_start3A_556 = arith.constant 0 : i32
    %dma_start3A_557 = arith.constant 0 : i32
    %dma_start3A_558 = tpu.memref_slice %arg6[%dma_start3A_554, %dma_start3A_555, %dma_start3A_556, %dma_start3A_557] : memref<4x2x200x64xf32, #tpu.memory_space<vmem>> -> memref<1x2x200x64xf32, #tpu.memory_space<vmem>>
    %dma_start3A_559 = tpu.memref_squeeze %dma_start3A_558 : memref<1x2x200x64xf32, #tpu.memory_space<vmem>> -> memref<2x200x64xf32, #tpu.memory_space<vmem>>
    %dma_start3A_560 = arith.constant 0 : i32
    %dma_start3A_561 = arith.constant 0 : i32
    %dma_start3A_562 = tpu.memref_slice %arg4[%multiple_of3A_553, %dma_start3A_560, %dma_start3A_561] : memref<4096x200x128xf32, #tpu.memory_space<hbm>> -> memref<2x200x64xf32, #tpu.memory_space<hbm>>
    %dma_start3A_563 = arith.constant 0 : i32
    %dma_start3A_564 = arith.constant 0 : i32
    %dma_start3A_565 = tpu.memref_slice %arg4[%multiple_of3A_553, %dma_start3A_563, %dma_start3A_564] : memref<4096x200x128xf32, #tpu.memory_space<hbm>> -> memref<2x200x64xf32, #tpu.memory_space<hbm>>
    %dma_start3A_566 = arith.constant 0 : i32
    %dma_start3A_567 = arith.constant 0 : i32
    %dma_start3A_568 = arith.constant 0 : i32
    %dma_start3A_569 = tpu.memref_slice %arg6[%dma_start3A_554, %dma_start3A_566, %dma_start3A_567, %dma_start3A_568] : memref<4x2x200x64xf32, #tpu.memory_space<vmem>> -> memref<1x2x200x64xf32, #tpu.memory_space<vmem>>
    %dma_start3A_570 = tpu.memref_squeeze %dma_start3A_569 : memref<1x2x200x64xf32, #tpu.memory_space<vmem>> -> memref<2x200x64xf32, #tpu.memory_space<vmem>>
    tpu.enqueue_dma source(%dma_start3A_570 : memref<2x200x64xf32, #tpu.memory_space<vmem>>) target(%dma_start3A_565 : memref<2x200x64xf32, #tpu.memory_space<hbm>>) target_semaphore(%arg8 : memref<!tpu.dma_semaphore, #tpu.memory_space<semaphore_mem>>)
    %multiple_of3A_571 = arith.constant 25200 : i32
    %multiple_of3A_572 = tpu.assume_multiple %multiple_of3A_571, 8 : i32
    %dma_start3A_573 = arith.constant 3 : i32
    %dma_start3A_574 = arith.constant 0 : i32
    %dma_start3A_575 = arith.constant 0 : i32
    %dma_start3A_576 = arith.constant 0 : i32
    %dma_start3A_577 = tpu.memref_slice %arg6[%dma_start3A_573, %dma_start3A_574, %dma_start3A_575, %dma_start3A_576] : memref<4x2x200x64xf32, #tpu.memory_space<vmem>> -> memref<1x1x200x64xf32, #tpu.memory_space<vmem>>
    %dma_start3A_578 = tpu.memref_squeeze %dma_start3A_577 : memref<1x1x200x64xf32, #tpu.memory_space<vmem>> -> memref<200x64xf32, #tpu.memory_space<vmem>>
    %dma_start3A_579 = tpu.memref_slice %arg5[%multiple_of3A_572] : memref<25600xi32, #tpu.memory_space<vmem>> -> memref<200xi32, #tpu.memory_space<vmem>>
    %dma_start3A_580 = arith.constant 0 : i32
    %dma_start3A_581 = arith.constant 0 : i32
    %dma_start3A_582 = tpu.memref_slice %arg3[%dma_start3A_580, %dma_start3A_581] : memref<2000000x64xf32, #tpu.memory_space<hbm>> -> memref<2000000x64xf32, #tpu.memory_space<hbm>>
    tpu.enqueue_indirect_dma source(%dma_start3A_582 : memref<2000000x64xf32, #tpu.memory_space<hbm>>) target(%dma_start3A_578 : memref<200x64xf32, #tpu.memory_space<vmem>>) offsets(%dma_start3A_579 : memref<200xi32, #tpu.memory_space<vmem>>) semaphore(%arg7 : memref<!tpu.dma_semaphore, #tpu.memory_space<semaphore_mem>>)
    %multiple_of3A_583 = arith.constant 25400 : i32
    %multiple_of3A_584 = tpu.assume_multiple %multiple_of3A_583, 8 : i32
    %dma_start3A_585 = arith.constant 3 : i32
    %dma_start3A_586 = arith.constant 1 : i32
    %dma_start3A_587 = arith.constant 0 : i32
    %dma_start3A_588 = arith.constant 0 : i32
    %dma_start3A_589 = tpu.memref_slice %arg6[%dma_start3A_585, %dma_start3A_586, %dma_start3A_587, %dma_start3A_588] : memref<4x2x200x64xf32, #tpu.memory_space<vmem>> -> memref<1x1x200x64xf32, #tpu.memory_space<vmem>>
    %dma_start3A_590 = tpu.memref_squeeze %dma_start3A_589 : memref<1x1x200x64xf32, #tpu.memory_space<vmem>> -> memref<200x64xf32, #tpu.memory_space<vmem>>
    %dma_start3A_591 = tpu.memref_slice %arg5[%multiple_of3A_584] : memref<25600xi32, #tpu.memory_space<vmem>> -> memref<200xi32, #tpu.memory_space<vmem>>
    %dma_start3A_592 = arith.constant 0 : i32
    %dma_start3A_593 = arith.constant 0 : i32
    %dma_start3A_594 = tpu.memref_slice %arg3[%dma_start3A_592, %dma_start3A_593] : memref<2000000x64xf32, #tpu.memory_space<hbm>> -> memref<2000000x64xf32, #tpu.memory_space<hbm>>
    tpu.enqueue_indirect_dma source(%dma_start3A_594 : memref<2000000x64xf32, #tpu.memory_space<hbm>>) target(%dma_start3A_590 : memref<200x64xf32, #tpu.memory_space<vmem>>) offsets(%dma_start3A_591 : memref<200xi32, #tpu.memory_space<vmem>>) semaphore(%arg7 : memref<!tpu.dma_semaphore, #tpu.memory_space<semaphore_mem>>)
    %dma_wait3A_595 = arith.constant 0 : i32
    %dma_wait3A_596 = arith.constant 0 : i32
    %dma_wait3A_597 = arith.constant 0 : i32
    %dma_wait3A_598 = arith.constant 0 : i32
    %dma_wait3A_599 = tpu.memref_slice %arg6[%dma_wait3A_595, %dma_wait3A_596, %dma_wait3A_597, %dma_wait3A_598] : memref<4x2x200x64xf32, #tpu.memory_space<vmem>> -> memref<1x2x200x64xf32, #tpu.memory_space<vmem>>
    %dma_wait3A_600 = tpu.memref_squeeze %dma_wait3A_599 : memref<1x2x200x64xf32, #tpu.memory_space<vmem>> -> memref<2x200x64xf32, #tpu.memory_space<vmem>>
    %dma_wait3A_601 = arith.constant 0 : i32
    %dma_wait3A_602 = arith.constant 0 : i32
    %dma_wait3A_603 = arith.constant 0 : i32
    %dma_wait3A_604 = tpu.memref_slice %arg4[%dma_wait3A_601, %dma_wait3A_602, %dma_wait3A_603] : memref<4096x200x128xf32, #tpu.memory_space<hbm>> -> memref<2x200x64xf32, #tpu.memory_space<hbm>>
    %dma_wait3A_605 = arith.constant 0 : i32
    %dma_wait3A_606 = arith.constant 0 : i32
    %dma_wait3A_607 = arith.constant 0 : i32
    %dma_wait3A_608 = tpu.memref_slice %arg4[%dma_wait3A_605, %dma_wait3A_606, %dma_wait3A_607] : memref<4096x200x128xf32, #tpu.memory_space<hbm>> -> memref<2x200x64xf32, #tpu.memory_space<hbm>>
    %dma_wait3A_609 = arith.constant 0 : i32
    %dma_wait3A_610 = arith.constant 0 : i32
    %dma_wait3A_611 = arith.constant 0 : i32
    %dma_wait3A_612 = tpu.memref_slice %arg6[%dma_wait3A_595, %dma_wait3A_609, %dma_wait3A_610, %dma_wait3A_611] : memref<4x2x200x64xf32, #tpu.memory_space<vmem>> -> memref<1x2x200x64xf32, #tpu.memory_space<vmem>>
    %dma_wait3A_613 = tpu.memref_squeeze %dma_wait3A_612 : memref<1x2x200x64xf32, #tpu.memory_space<vmem>> -> memref<2x200x64xf32, #tpu.memory_space<vmem>>
    tpu.wait_dma2 semaphore(%arg8 : memref<!tpu.dma_semaphore, #tpu.memory_space<semaphore_mem>>) src(%dma_wait3A_613 : memref<2x200x64xf32, #tpu.memory_space<vmem>>) dst(%dma_wait3A_608 : memref<2x200x64xf32, #tpu.memory_space<hbm>>)
    %dma_wait3A_614 = arith.constant 1 : i32
    %dma_wait3A_615 = arith.constant 0 : i32
    %dma_wait3A_616 = arith.constant 0 : i32
    %dma_wait3A_617 = arith.constant 0 : i32
    %dma_wait3A_618 = tpu.memref_slice %arg6[%dma_wait3A_614, %dma_wait3A_615, %dma_wait3A_616, %dma_wait3A_617] : memref<4x2x200x64xf32, #tpu.memory_space<vmem>> -> memref<1x1x200x64xf32, #tpu.memory_space<vmem>>
    %dma_wait3A_619 = tpu.memref_squeeze %dma_wait3A_618 : memref<1x1x200x64xf32, #tpu.memory_space<vmem>> -> memref<200x64xf32, #tpu.memory_space<vmem>>
    %dma_wait3A_620 = arith.constant 0 : i32
    %dma_wait3A_621 = tpu.memref_slice %arg5[%dma_wait3A_620] : memref<25600xi32, #tpu.memory_space<vmem>> -> memref<200xi32, #tpu.memory_space<vmem>>
    %dma_wait3A_622 = arith.constant 0 : i32
    %dma_wait3A_623 = arith.constant 0 : i32
    %dma_wait3A_624 = tpu.memref_slice %arg3[%dma_wait3A_622, %dma_wait3A_623] : memref<2000000x64xf32, #tpu.memory_space<hbm>> -> memref<2000000x64xf32, #tpu.memory_space<hbm>>
    tpu.wait_indirect_dma semaphore(%arg7 : memref<!tpu.dma_semaphore, #tpu.memory_space<semaphore_mem>>) src(%dma_wait3A_624 : memref<2000000x64xf32, #tpu.memory_space<hbm>>) dst(%dma_wait3A_619 : memref<200x64xf32, #tpu.memory_space<vmem>>)
    %dma_wait3A_625 = arith.constant 1 : i32
    %dma_wait3A_626 = arith.constant 1 : i32
    %dma_wait3A_627 = arith.constant 0 : i32
    %dma_wait3A_628 = arith.constant 0 : i32
    %dma_wait3A_629 = tpu.memref_slice %arg6[%dma_wait3A_625, %dma_wait3A_626, %dma_wait3A_627, %dma_wait3A_628] : memref<4x2x200x64xf32, #tpu.memory_space<vmem>> -> memref<1x1x200x64xf32, #tpu.memory_space<vmem>>
    %dma_wait3A_630 = tpu.memref_squeeze %dma_wait3A_629 : memref<1x1x200x64xf32, #tpu.memory_space<vmem>> -> memref<200x64xf32, #tpu.memory_space<vmem>>
    %dma_wait3A_631 = arith.constant 0 : i32
    %dma_wait3A_632 = tpu.memref_slice %arg5[%dma_wait3A_631] : memref<25600xi32, #tpu.memory_space<vmem>> -> memref<200xi32, #tpu.memory_space<vmem>>
    %dma_wait3A_633 = arith.constant 0 : i32
    %dma_wait3A_634 = arith.constant 0 : i32
    %dma_wait3A_635 = tpu.memref_slice %arg3[%dma_wait3A_633, %dma_wait3A_634] : memref<2000000x64xf32, #tpu.memory_space<hbm>> -> memref<2000000x64xf32, #tpu.memory_space<hbm>>
    tpu.wait_indirect_dma semaphore(%arg7 : memref<!tpu.dma_semaphore, #tpu.memory_space<semaphore_mem>>) src(%dma_wait3A_635 : memref<2000000x64xf32, #tpu.memory_space<hbm>>) dst(%dma_wait3A_630 : memref<200x64xf32, #tpu.memory_space<vmem>>)
    %add3A_636 = arith.constant 24400 : i32
    %add3A_637 = arith.addi %multiple_of3A, %add3A_636 : i32
    %jit3A_638 = arith.constant 200 : i32
    %div3A_639 = arith.divsi %add3A_637, %jit3A_638 : i32
    %sign3A_640 = arith.constant 0 : i32
    %sign3A_641 = arith.cmpi sgt, %add3A_637, %sign3A_640 : i32
    %sign3A_642 = arith.extui %sign3A_641 : i1 to i32
    %sign3A_643 = arith.constant 0 : i32
    %sign3A_644 = arith.cmpi slt, %add3A_637, %sign3A_643 : i32
    %sign3A_645 = arith.extui %sign3A_644 : i1 to i32
    %sign3A_646 = arith.subi %sign3A_642, %sign3A_645 : i32
    %sign3A_647 = arith.constant 0 : i32
    %sign3A_648 = arith.cmpi sgt, %jit3A_638, %sign3A_647 : i32
    %sign3A_649 = arith.extui %sign3A_648 : i1 to i32
    %sign3A_650 = arith.constant 0 : i32
    %sign3A_651 = arith.cmpi slt, %jit3A_638, %sign3A_650 : i32
    %sign3A_652 = arith.extui %sign3A_651 : i1 to i32
    %sign3A_653 = arith.subi %sign3A_649, %sign3A_652 : i32
    %ne3A_654 = arith.cmpi ne, %sign3A_646, %sign3A_653 : i32
    %rem3A_655 = arith.remsi %add3A_637, %jit3A_638 : i32
    %ne3A_656 = arith.constant 0 : i32
    %ne3A_657 = arith.cmpi ne, %rem3A_655, %ne3A_656 : i32
    %and3A_658 = arith.andi %ne3A_654, %ne3A_657 : i1
    %sub3A_659 = arith.constant 1 : i32
    %sub3A_660 = arith.subi %div3A_639, %sub3A_659 : i32
    %select_n3A_661 = arith.select %and3A_658, %sub3A_660, %div3A_639 : i32
    %multiple_of3A_662 = tpu.assume_multiple %select_n3A_661, 2 : i32
    %dma_start3A_663 = arith.constant 1 : i32
    %dma_start3A_664 = arith.constant 0 : i32
    %dma_start3A_665 = arith.constant 0 : i32
    %dma_start3A_666 = arith.constant 0 : i32
    %dma_start3A_667 = tpu.memref_slice %arg6[%dma_start3A_663, %dma_start3A_664, %dma_start3A_665, %dma_start3A_666] : memref<4x2x200x64xf32, #tpu.memory_space<vmem>> -> memref<1x2x200x64xf32, #tpu.memory_space<vmem>>
    %dma_start3A_668 = tpu.memref_squeeze %dma_start3A_667 : memref<1x2x200x64xf32, #tpu.memory_space<vmem>> -> memref<2x200x64xf32, #tpu.memory_space<vmem>>
    %dma_start3A_669 = arith.constant 0 : i32
    %dma_start3A_670 = arith.constant 0 : i32
    %dma_start3A_671 = tpu.memref_slice %arg4[%multiple_of3A_662, %dma_start3A_669, %dma_start3A_670] : memref<4096x200x128xf32, #tpu.memory_space<hbm>> -> memref<2x200x64xf32, #tpu.memory_space<hbm>>
    %dma_start3A_672 = arith.constant 0 : i32
    %dma_start3A_673 = arith.constant 0 : i32
    %dma_start3A_674 = tpu.memref_slice %arg4[%multiple_of3A_662, %dma_start3A_672, %dma_start3A_673] : memref<4096x200x128xf32, #tpu.memory_space<hbm>> -> memref<2x200x64xf32, #tpu.memory_space<hbm>>
    %dma_start3A_675 = arith.constant 0 : i32
    %dma_start3A_676 = arith.constant 0 : i32
    %dma_start3A_677 = arith.constant 0 : i32
    %dma_start3A_678 = tpu.memref_slice %arg6[%dma_start3A_663, %dma_start3A_675, %dma_start3A_676, %dma_start3A_677] : memref<4x2x200x64xf32, #tpu.memory_space<vmem>> -> memref<1x2x200x64xf32, #tpu.memory_space<vmem>>
    %dma_start3A_679 = tpu.memref_squeeze %dma_start3A_678 : memref<1x2x200x64xf32, #tpu.memory_space<vmem>> -> memref<2x200x64xf32, #tpu.memory_space<vmem>>
    tpu.enqueue_dma source(%dma_start3A_679 : memref<2x200x64xf32, #tpu.memory_space<vmem>>) target(%dma_start3A_674 : memref<2x200x64xf32, #tpu.memory_space<hbm>>) target_semaphore(%arg8 : memref<!tpu.dma_semaphore, #tpu.memory_space<semaphore_mem>>)
    %dma_wait3A_680 = arith.constant 0 : i32
    %dma_wait3A_681 = arith.constant 0 : i32
    %dma_wait3A_682 = arith.constant 0 : i32
    %dma_wait3A_683 = arith.constant 0 : i32
    %dma_wait3A_684 = tpu.memref_slice %arg6[%dma_wait3A_680, %dma_wait3A_681, %dma_wait3A_682, %dma_wait3A_683] : memref<4x2x200x64xf32, #tpu.memory_space<vmem>> -> memref<1x2x200x64xf32, #tpu.memory_space<vmem>>
    %dma_wait3A_685 = tpu.memref_squeeze %dma_wait3A_684 : memref<1x2x200x64xf32, #tpu.memory_space<vmem>> -> memref<2x200x64xf32, #tpu.memory_space<vmem>>
    %dma_wait3A_686 = arith.constant 0 : i32
    %dma_wait3A_687 = arith.constant 0 : i32
    %dma_wait3A_688 = arith.constant 0 : i32
    %dma_wait3A_689 = tpu.memref_slice %arg4[%dma_wait3A_686, %dma_wait3A_687, %dma_wait3A_688] : memref<4096x200x128xf32, #tpu.memory_space<hbm>> -> memref<2x200x64xf32, #tpu.memory_space<hbm>>
    %dma_wait3A_690 = arith.constant 0 : i32
    %dma_wait3A_691 = arith.constant 0 : i32
    %dma_wait3A_692 = arith.constant 0 : i32
    %dma_wait3A_693 = tpu.memref_slice %arg4[%dma_wait3A_690, %dma_wait3A_691, %dma_wait3A_692] : memref<4096x200x128xf32, #tpu.memory_space<hbm>> -> memref<2x200x64xf32, #tpu.memory_space<hbm>>
    %dma_wait3A_694 = arith.constant 0 : i32
    %dma_wait3A_695 = arith.constant 0 : i32
    %dma_wait3A_696 = arith.constant 0 : i32
    %dma_wait3A_697 = tpu.memref_slice %arg6[%dma_wait3A_680, %dma_wait3A_694, %dma_wait3A_695, %dma_wait3A_696] : memref<4x2x200x64xf32, #tpu.memory_space<vmem>> -> memref<1x2x200x64xf32, #tpu.memory_space<vmem>>
    %dma_wait3A_698 = tpu.memref_squeeze %dma_wait3A_697 : memref<1x2x200x64xf32, #tpu.memory_space<vmem>> -> memref<2x200x64xf32, #tpu.memory_space<vmem>>
    tpu.wait_dma2 semaphore(%arg8 : memref<!tpu.dma_semaphore, #tpu.memory_space<semaphore_mem>>) src(%dma_wait3A_698 : memref<2x200x64xf32, #tpu.memory_space<vmem>>) dst(%dma_wait3A_693 : memref<2x200x64xf32, #tpu.memory_space<hbm>>)
    %dma_wait3A_699 = arith.constant 2 : i32
    %dma_wait3A_700 = arith.constant 0 : i32
    %dma_wait3A_701 = arith.constant 0 : i32
    %dma_wait3A_702 = arith.constant 0 : i32
    %dma_wait3A_703 = tpu.memref_slice %arg6[%dma_wait3A_699, %dma_wait3A_700, %dma_wait3A_701, %dma_wait3A_702] : memref<4x2x200x64xf32, #tpu.memory_space<vmem>> -> memref<1x1x200x64xf32, #tpu.memory_space<vmem>>
    %dma_wait3A_704 = tpu.memref_squeeze %dma_wait3A_703 : memref<1x1x200x64xf32, #tpu.memory_space<vmem>> -> memref<200x64xf32, #tpu.memory_space<vmem>>
    %dma_wait3A_705 = arith.constant 0 : i32
    %dma_wait3A_706 = tpu.memref_slice %arg5[%dma_wait3A_705] : memref<25600xi32, #tpu.memory_space<vmem>> -> memref<200xi32, #tpu.memory_space<vmem>>
    %dma_wait3A_707 = arith.constant 0 : i32
    %dma_wait3A_708 = arith.constant 0 : i32
    %dma_wait3A_709 = tpu.memref_slice %arg3[%dma_wait3A_707, %dma_wait3A_708] : memref<2000000x64xf32, #tpu.memory_space<hbm>> -> memref<2000000x64xf32, #tpu.memory_space<hbm>>
    tpu.wait_indirect_dma semaphore(%arg7 : memref<!tpu.dma_semaphore, #tpu.memory_space<semaphore_mem>>) src(%dma_wait3A_709 : memref<2000000x64xf32, #tpu.memory_space<hbm>>) dst(%dma_wait3A_704 : memref<200x64xf32, #tpu.memory_space<vmem>>)
    %dma_wait3A_710 = arith.constant 2 : i32
    %dma_wait3A_711 = arith.constant 1 : i32
    %dma_wait3A_712 = arith.constant 0 : i32
    %dma_wait3A_713 = arith.constant 0 : i32
    %dma_wait3A_714 = tpu.memref_slice %arg6[%dma_wait3A_710, %dma_wait3A_711, %dma_wait3A_712, %dma_wait3A_713] : memref<4x2x200x64xf32, #tpu.memory_space<vmem>> -> memref<1x1x200x64xf32, #tpu.memory_space<vmem>>
    %dma_wait3A_715 = tpu.memref_squeeze %dma_wait3A_714 : memref<1x1x200x64xf32, #tpu.memory_space<vmem>> -> memref<200x64xf32, #tpu.memory_space<vmem>>
    %dma_wait3A_716 = arith.constant 0 : i32
    %dma_wait3A_717 = tpu.memref_slice %arg5[%dma_wait3A_716] : memref<25600xi32, #tpu.memory_space<vmem>> -> memref<200xi32, #tpu.memory_space<vmem>>
    %dma_wait3A_718 = arith.constant 0 : i32
    %dma_wait3A_719 = arith.constant 0 : i32
    %dma_wait3A_720 = tpu.memref_slice %arg3[%dma_wait3A_718, %dma_wait3A_719] : memref<2000000x64xf32, #tpu.memory_space<hbm>> -> memref<2000000x64xf32, #tpu.memory_space<hbm>>
    tpu.wait_indirect_dma semaphore(%arg7 : memref<!tpu.dma_semaphore, #tpu.memory_space<semaphore_mem>>) src(%dma_wait3A_720 : memref<2000000x64xf32, #tpu.memory_space<hbm>>) dst(%dma_wait3A_715 : memref<200x64xf32, #tpu.memory_space<vmem>>)
    %add3A_721 = arith.constant 24800 : i32
    %add3A_722 = arith.addi %multiple_of3A, %add3A_721 : i32
    %jit3A_723 = arith.constant 200 : i32
    %div3A_724 = arith.divsi %add3A_722, %jit3A_723 : i32
    %sign3A_725 = arith.constant 0 : i32
    %sign3A_726 = arith.cmpi sgt, %add3A_722, %sign3A_725 : i32
    %sign3A_727 = arith.extui %sign3A_726 : i1 to i32
    %sign3A_728 = arith.constant 0 : i32
    %sign3A_729 = arith.cmpi slt, %add3A_722, %sign3A_728 : i32
    %sign3A_730 = arith.extui %sign3A_729 : i1 to i32
    %sign3A_731 = arith.subi %sign3A_727, %sign3A_730 : i32
    %sign3A_732 = arith.constant 0 : i32
    %sign3A_733 = arith.cmpi sgt, %jit3A_723, %sign3A_732 : i32
    %sign3A_734 = arith.extui %sign3A_733 : i1 to i32
    %sign3A_735 = arith.constant 0 : i32
    %sign3A_736 = arith.cmpi slt, %jit3A_723, %sign3A_735 : i32
    %sign3A_737 = arith.extui %sign3A_736 : i1 to i32
    %sign3A_738 = arith.subi %sign3A_734, %sign3A_737 : i32
    %ne3A_739 = arith.cmpi ne, %sign3A_731, %sign3A_738 : i32
    %rem3A_740 = arith.remsi %add3A_722, %jit3A_723 : i32
    %ne3A_741 = arith.constant 0 : i32
    %ne3A_742 = arith.cmpi ne, %rem3A_740, %ne3A_741 : i32
    %and3A_743 = arith.andi %ne3A_739, %ne3A_742 : i1
    %sub3A_744 = arith.constant 1 : i32
    %sub3A_745 = arith.subi %div3A_724, %sub3A_744 : i32
    %select_n3A_746 = arith.select %and3A_743, %sub3A_745, %div3A_724 : i32
    %multiple_of3A_747 = tpu.assume_multiple %select_n3A_746, 2 : i32
    %dma_start3A_748 = arith.constant 2 : i32
    %dma_start3A_749 = arith.constant 0 : i32
    %dma_start3A_750 = arith.constant 0 : i32
    %dma_start3A_751 = arith.constant 0 : i32
    %dma_start3A_752 = tpu.memref_slice %arg6[%dma_start3A_748, %dma_start3A_749, %dma_start3A_750, %dma_start3A_751] : memref<4x2x200x64xf32, #tpu.memory_space<vmem>> -> memref<1x2x200x64xf32, #tpu.memory_space<vmem>>
    %dma_start3A_753 = tpu.memref_squeeze %dma_start3A_752 : memref<1x2x200x64xf32, #tpu.memory_space<vmem>> -> memref<2x200x64xf32, #tpu.memory_space<vmem>>
    %dma_start3A_754 = arith.constant 0 : i32
    %dma_start3A_755 = arith.constant 0 : i32
    %dma_start3A_756 = tpu.memref_slice %arg4[%multiple_of3A_747, %dma_start3A_754, %dma_start3A_755] : memref<4096x200x128xf32, #tpu.memory_space<hbm>> -> memref<2x200x64xf32, #tpu.memory_space<hbm>>
    %dma_start3A_757 = arith.constant 0 : i32
    %dma_start3A_758 = arith.constant 0 : i32
    %dma_start3A_759 = tpu.memref_slice %arg4[%multiple_of3A_747, %dma_start3A_757, %dma_start3A_758] : memref<4096x200x128xf32, #tpu.memory_space<hbm>> -> memref<2x200x64xf32, #tpu.memory_space<hbm>>
    %dma_start3A_760 = arith.constant 0 : i32
    %dma_start3A_761 = arith.constant 0 : i32
    %dma_start3A_762 = arith.constant 0 : i32
    %dma_start3A_763 = tpu.memref_slice %arg6[%dma_start3A_748, %dma_start3A_760, %dma_start3A_761, %dma_start3A_762] : memref<4x2x200x64xf32, #tpu.memory_space<vmem>> -> memref<1x2x200x64xf32, #tpu.memory_space<vmem>>
    %dma_start3A_764 = tpu.memref_squeeze %dma_start3A_763 : memref<1x2x200x64xf32, #tpu.memory_space<vmem>> -> memref<2x200x64xf32, #tpu.memory_space<vmem>>
    tpu.enqueue_dma source(%dma_start3A_764 : memref<2x200x64xf32, #tpu.memory_space<vmem>>) target(%dma_start3A_759 : memref<2x200x64xf32, #tpu.memory_space<hbm>>) target_semaphore(%arg8 : memref<!tpu.dma_semaphore, #tpu.memory_space<semaphore_mem>>)
    %dma_wait3A_765 = arith.constant 0 : i32
    %dma_wait3A_766 = arith.constant 0 : i32
    %dma_wait3A_767 = arith.constant 0 : i32
    %dma_wait3A_768 = arith.constant 0 : i32
    %dma_wait3A_769 = tpu.memref_slice %arg6[%dma_wait3A_765, %dma_wait3A_766, %dma_wait3A_767, %dma_wait3A_768] : memref<4x2x200x64xf32, #tpu.memory_space<vmem>> -> memref<1x2x200x64xf32, #tpu.memory_space<vmem>>
    %dma_wait3A_770 = tpu.memref_squeeze %dma_wait3A_769 : memref<1x2x200x64xf32, #tpu.memory_space<vmem>> -> memref<2x200x64xf32, #tpu.memory_space<vmem>>
    %dma_wait3A_771 = arith.constant 0 : i32
    %dma_wait3A_772 = arith.constant 0 : i32
    %dma_wait3A_773 = arith.constant 0 : i32
    %dma_wait3A_774 = tpu.memref_slice %arg4[%dma_wait3A_771, %dma_wait3A_772, %dma_wait3A_773] : memref<4096x200x128xf32, #tpu.memory_space<hbm>> -> memref<2x200x64xf32, #tpu.memory_space<hbm>>
    %dma_wait3A_775 = arith.constant 0 : i32
    %dma_wait3A_776 = arith.constant 0 : i32
    %dma_wait3A_777 = arith.constant 0 : i32
    %dma_wait3A_778 = tpu.memref_slice %arg4[%dma_wait3A_775, %dma_wait3A_776, %dma_wait3A_777] : memref<4096x200x128xf32, #tpu.memory_space<hbm>> -> memref<2x200x64xf32, #tpu.memory_space<hbm>>
    %dma_wait3A_779 = arith.constant 0 : i32
    %dma_wait3A_780 = arith.constant 0 : i32
    %dma_wait3A_781 = arith.constant 0 : i32
    %dma_wait3A_782 = tpu.memref_slice %arg6[%dma_wait3A_765, %dma_wait3A_779, %dma_wait3A_780, %dma_wait3A_781] : memref<4x2x200x64xf32, #tpu.memory_space<vmem>> -> memref<1x2x200x64xf32, #tpu.memory_space<vmem>>
    %dma_wait3A_783 = tpu.memref_squeeze %dma_wait3A_782 : memref<1x2x200x64xf32, #tpu.memory_space<vmem>> -> memref<2x200x64xf32, #tpu.memory_space<vmem>>
    tpu.wait_dma2 semaphore(%arg8 : memref<!tpu.dma_semaphore, #tpu.memory_space<semaphore_mem>>) src(%dma_wait3A_783 : memref<2x200x64xf32, #tpu.memory_space<vmem>>) dst(%dma_wait3A_778 : memref<2x200x64xf32, #tpu.memory_space<hbm>>)
    %dma_wait3A_784 = arith.constant 3 : i32
    %dma_wait3A_785 = arith.constant 0 : i32
    %dma_wait3A_786 = arith.constant 0 : i32
    %dma_wait3A_787 = arith.constant 0 : i32
    %dma_wait3A_788 = tpu.memref_slice %arg6[%dma_wait3A_784, %dma_wait3A_785, %dma_wait3A_786, %dma_wait3A_787] : memref<4x2x200x64xf32, #tpu.memory_space<vmem>> -> memref<1x1x200x64xf32, #tpu.memory_space<vmem>>
    %dma_wait3A_789 = tpu.memref_squeeze %dma_wait3A_788 : memref<1x1x200x64xf32, #tpu.memory_space<vmem>> -> memref<200x64xf32, #tpu.memory_space<vmem>>
    %dma_wait3A_790 = arith.constant 0 : i32
    %dma_wait3A_791 = tpu.memref_slice %arg5[%dma_wait3A_790] : memref<25600xi32, #tpu.memory_space<vmem>> -> memref<200xi32, #tpu.memory_space<vmem>>
    %dma_wait3A_792 = arith.constant 0 : i32
    %dma_wait3A_793 = arith.constant 0 : i32
    %dma_wait3A_794 = tpu.memref_slice %arg3[%dma_wait3A_792, %dma_wait3A_793] : memref<2000000x64xf32, #tpu.memory_space<hbm>> -> memref<2000000x64xf32, #tpu.memory_space<hbm>>
    tpu.wait_indirect_dma semaphore(%arg7 : memref<!tpu.dma_semaphore, #tpu.memory_space<semaphore_mem>>) src(%dma_wait3A_794 : memref<2000000x64xf32, #tpu.memory_space<hbm>>) dst(%dma_wait3A_789 : memref<200x64xf32, #tpu.memory_space<vmem>>)
    %dma_wait3A_795 = arith.constant 3 : i32
    %dma_wait3A_796 = arith.constant 1 : i32
    %dma_wait3A_797 = arith.constant 0 : i32
    %dma_wait3A_798 = arith.constant 0 : i32
    %dma_wait3A_799 = tpu.memref_slice %arg6[%dma_wait3A_795, %dma_wait3A_796, %dma_wait3A_797, %dma_wait3A_798] : memref<4x2x200x64xf32, #tpu.memory_space<vmem>> -> memref<1x1x200x64xf32, #tpu.memory_space<vmem>>
    %dma_wait3A_800 = tpu.memref_squeeze %dma_wait3A_799 : memref<1x1x200x64xf32, #tpu.memory_space<vmem>> -> memref<200x64xf32, #tpu.memory_space<vmem>>
    %dma_wait3A_801 = arith.constant 0 : i32
    %dma_wait3A_802 = tpu.memref_slice %arg5[%dma_wait3A_801] : memref<25600xi32, #tpu.memory_space<vmem>> -> memref<200xi32, #tpu.memory_space<vmem>>
    %dma_wait3A_803 = arith.constant 0 : i32
    %dma_wait3A_804 = arith.constant 0 : i32
    %dma_wait3A_805 = tpu.memref_slice %arg3[%dma_wait3A_803, %dma_wait3A_804] : memref<2000000x64xf32, #tpu.memory_space<hbm>> -> memref<2000000x64xf32, #tpu.memory_space<hbm>>
    tpu.wait_indirect_dma semaphore(%arg7 : memref<!tpu.dma_semaphore, #tpu.memory_space<semaphore_mem>>) src(%dma_wait3A_805 : memref<2000000x64xf32, #tpu.memory_space<hbm>>) dst(%dma_wait3A_800 : memref<200x64xf32, #tpu.memory_space<vmem>>)
    %add3A_806 = arith.constant 25200 : i32
    %add3A_807 = arith.addi %multiple_of3A, %add3A_806 : i32
    %jit3A_808 = arith.constant 200 : i32
    %div3A_809 = arith.divsi %add3A_807, %jit3A_808 : i32
    %sign3A_810 = arith.constant 0 : i32
    %sign3A_811 = arith.cmpi sgt, %add3A_807, %sign3A_810 : i32
    %sign3A_812 = arith.extui %sign3A_811 : i1 to i32
    %sign3A_813 = arith.constant 0 : i32
    %sign3A_814 = arith.cmpi slt, %add3A_807, %sign3A_813 : i32
    %sign3A_815 = arith.extui %sign3A_814 : i1 to i32
    %sign3A_816 = arith.subi %sign3A_812, %sign3A_815 : i32
    %sign3A_817 = arith.constant 0 : i32
    %sign3A_818 = arith.cmpi sgt, %jit3A_808, %sign3A_817 : i32
    %sign3A_819 = arith.extui %sign3A_818 : i1 to i32
    %sign3A_820 = arith.constant 0 : i32
    %sign3A_821 = arith.cmpi slt, %jit3A_808, %sign3A_820 : i32
    %sign3A_822 = arith.extui %sign3A_821 : i1 to i32
    %sign3A_823 = arith.subi %sign3A_819, %sign3A_822 : i32
    %ne3A_824 = arith.cmpi ne, %sign3A_816, %sign3A_823 : i32
    %rem3A_825 = arith.remsi %add3A_807, %jit3A_808 : i32
    %ne3A_826 = arith.constant 0 : i32
    %ne3A_827 = arith.cmpi ne, %rem3A_825, %ne3A_826 : i32
    %and3A_828 = arith.andi %ne3A_824, %ne3A_827 : i1
    %sub3A_829 = arith.constant 1 : i32
    %sub3A_830 = arith.subi %div3A_809, %sub3A_829 : i32
    %select_n3A_831 = arith.select %and3A_828, %sub3A_830, %div3A_809 : i32
    %multiple_of3A_832 = tpu.assume_multiple %select_n3A_831, 2 : i32
    %dma_start3A_833 = arith.constant 3 : i32
    %dma_start3A_834 = arith.constant 0 : i32
    %dma_start3A_835 = arith.constant 0 : i32
    %dma_start3A_836 = arith.constant 0 : i32
    %dma_start3A_837 = tpu.memref_slice %arg6[%dma_start3A_833, %dma_start3A_834, %dma_start3A_835, %dma_start3A_836] : memref<4x2x200x64xf32, #tpu.memory_space<vmem>> -> memref<1x2x200x64xf32, #tpu.memory_space<vmem>>
    %dma_start3A_838 = tpu.memref_squeeze %dma_start3A_837 : memref<1x2x200x64xf32, #tpu.memory_space<vmem>> -> memref<2x200x64xf32, #tpu.memory_space<vmem>>
    %dma_start3A_839 = arith.constant 0 : i32
    %dma_start3A_840 = arith.constant 0 : i32
    %dma_start3A_841 = tpu.memref_slice %arg4[%multiple_of3A_832, %dma_start3A_839, %dma_start3A_840] : memref<4096x200x128xf32, #tpu.memory_space<hbm>> -> memref<2x200x64xf32, #tpu.memory_space<hbm>>
    %dma_start3A_842 = arith.constant 0 : i32
    %dma_start3A_843 = arith.constant 0 : i32
    %dma_start3A_844 = tpu.memref_slice %arg4[%multiple_of3A_832, %dma_start3A_842, %dma_start3A_843] : memref<4096x200x128xf32, #tpu.memory_space<hbm>> -> memref<2x200x64xf32, #tpu.memory_space<hbm>>
    %dma_start3A_845 = arith.constant 0 : i32
    %dma_start3A_846 = arith.constant 0 : i32
    %dma_start3A_847 = arith.constant 0 : i32
    %dma_start3A_848 = tpu.memref_slice %arg6[%dma_start3A_833, %dma_start3A_845, %dma_start3A_846, %dma_start3A_847] : memref<4x2x200x64xf32, #tpu.memory_space<vmem>> -> memref<1x2x200x64xf32, #tpu.memory_space<vmem>>
    %dma_start3A_849 = tpu.memref_squeeze %dma_start3A_848 : memref<1x2x200x64xf32, #tpu.memory_space<vmem>> -> memref<2x200x64xf32, #tpu.memory_space<vmem>>
    tpu.enqueue_dma source(%dma_start3A_849 : memref<2x200x64xf32, #tpu.memory_space<vmem>>) target(%dma_start3A_844 : memref<2x200x64xf32, #tpu.memory_space<hbm>>) target_semaphore(%arg8 : memref<!tpu.dma_semaphore, #tpu.memory_space<semaphore_mem>>)
    %dma_wait3A_850 = arith.constant 0 : i32
    %dma_wait3A_851 = arith.constant 0 : i32
    %dma_wait3A_852 = arith.constant 0 : i32
    %dma_wait3A_853 = arith.constant 0 : i32
    %dma_wait3A_854 = tpu.memref_slice %arg6[%dma_wait3A_850, %dma_wait3A_851, %dma_wait3A_852, %dma_wait3A_853] : memref<4x2x200x64xf32, #tpu.memory_space<vmem>> -> memref<1x2x200x64xf32, #tpu.memory_space<vmem>>
    %dma_wait3A_855 = tpu.memref_squeeze %dma_wait3A_854 : memref<1x2x200x64xf32, #tpu.memory_space<vmem>> -> memref<2x200x64xf32, #tpu.memory_space<vmem>>
    %dma_wait3A_856 = arith.constant 0 : i32
    %dma_wait3A_857 = arith.constant 0 : i32
    %dma_wait3A_858 = arith.constant 0 : i32
    %dma_wait3A_859 = tpu.memref_slice %arg4[%dma_wait3A_856, %dma_wait3A_857, %dma_wait3A_858] : memref<4096x200x128xf32, #tpu.memory_space<hbm>> -> memref<2x200x64xf32, #tpu.memory_space<hbm>>
    %dma_wait3A_860 = arith.constant 0 : i32
    %dma_wait3A_861 = arith.constant 0 : i32
    %dma_wait3A_862 = arith.constant 0 : i32
    %dma_wait3A_863 = tpu.memref_slice %arg4[%dma_wait3A_860, %dma_wait3A_861, %dma_wait3A_862] : memref<4096x200x128xf32, #tpu.memory_space<hbm>> -> memref<2x200x64xf32, #tpu.memory_space<hbm>>
    %dma_wait3A_864 = arith.constant 0 : i32
    %dma_wait3A_865 = arith.constant 0 : i32
    %dma_wait3A_866 = arith.constant 0 : i32
    %dma_wait3A_867 = tpu.memref_slice %arg6[%dma_wait3A_850, %dma_wait3A_864, %dma_wait3A_865, %dma_wait3A_866] : memref<4x2x200x64xf32, #tpu.memory_space<vmem>> -> memref<1x2x200x64xf32, #tpu.memory_space<vmem>>
    %dma_wait3A_868 = tpu.memref_squeeze %dma_wait3A_867 : memref<1x2x200x64xf32, #tpu.memory_space<vmem>> -> memref<2x200x64xf32, #tpu.memory_space<vmem>>
    tpu.wait_dma2 semaphore(%arg8 : memref<!tpu.dma_semaphore, #tpu.memory_space<semaphore_mem>>) src(%dma_wait3A_868 : memref<2x200x64xf32, #tpu.memory_space<vmem>>) dst(%dma_wait3A_863 : memref<2x200x64xf32, #tpu.memory_space<hbm>>)
    return
  }
}

</mosaic_0001>

<sc_bundles>
// kernel: kernel.3.cloned.1.call-start
scs
__scs_entry_jumppad:
0x0: {  	(pc) =	sbr.rel $0x88, $3  }
0x1: {  	(tag) =	ssettag $0x0;
	lr =	simm.s32 $0x1  }
0x2: {  	[smem:$0x3F9F] =	sst lr;
	_ =	strace $0xD0000000  }
0x3: {  	_ = 	snop  }
0x4: {  	_ = 	snop  }
0x5: {  	_ = 	snop  }
0x6: {  	_ = 	snop  }
0x7: {  	_ = 	snop  }
__scs_overlays_trampoline_lowered:
0x8: {  	[smem:$0x3FAE] =	sst s0  }
0x9: {  	[smem:$0x3FAF] =	sst s1  }
0xa: {  	[smem:$0x3FB0] =	sst s2  }
0xb: {  	[smem:$0x3FB1] =	sst s3  }
0xc: {  	[smem:$0x3FB2] =	sst s4  }
0xd: {  	[smem:$0x3FB3] =	sst s5  }
0xe: {  	[smem:$0x3FB4] =	sst s6  }
0xf: {  	[smem:$0x3FB5] =	sst s7  }
0x10: {  	[smem:$0x3FB6] =	sst s8  }
0x11: {  	[smem:$0x3FB7] =	sst s9;
	s0 =	simm.s32 @!p0 $0x0  }
0x12: {  	s1 =	sld [smem:$0x3F9D];
	s0 =	simm.s32 @p0 $0x1  }
0x13: {  	[smem:$0x3FB8] =	sst s0;
	s0 =	simm.s32 @!p1 $0x0  }
0x14: {  	s2 =	sld [smem:$0x3F9C];
	s0 =	simm.s32 @p1 $0x1  }
0x15: {  	[smem:$0x3FB9] =	sst s0;
	s0 =	simm.s32 @!p2 $0x0  }
0x16: {  	s3 =	sld [smem:$0x3FDB];
	s0 =	simm.s32 @p2 $0x1  }
0x17: {  	s4 =	simm.s32 $0x1BF5;
	[smem:$0x3FBB] =	sst s0  }
0x18: {  	s0 =	sld [smem:$0x3F9E];
	_ =	swait.ge [sflag:s4], $0x0  }
0x19: {  	s7 =	sld [smem:$0x3F9F]  }
0x1a: {  	s8 =	sadd.s32 $0xFFFFE003, lr  }
0x1b: {  	s9 =	sadd.s32 $0xFFFFFEF7, lr;
	s5 =	simm.s32 $0xFFFFFFFF;
	p2 =	slt.u32 s8, $0xFFFFF086  }
0x1c: {  	p1 =	slt.u32 s9, $0xF7A;
	s5 =	simm.s32 @!p2 $0x0  }
0x1d: {  	s5 =	simm.s32 @p1 $0x1;
	p0 =	seq.s32 s7, s2  }
0x1e: {  	s7 =	smul.u32 @!p0 $0xF7A, s2;
	p2 =	seq.s32 @!p0 s5, $0x0  }
0x1f: {  	s9 =	smul.u32 $0xF7A, s1;
	s8 =	simm.s32 @!p0 $0x1BF5;
	p2 =	por !p2, p0  }
0x20: {  	[sflag:s8] =	ssyncset.s32 @!p0 $0xFFFFF086;
	s6 =	sadd.s32 @!p0 s3, s7;
	s7 =	simm.s32 @!p0 $0x108  }
0x21: {  	s3 =	sadd.s32 s3, s9;
	s6 =	sadd.s32 @!p0 $0x88, s6;
	s7 =	simm.s32 @p2 $0x1082  }
0x22: {  	[simem:s7], [sflag:s8] =	dma.local @!p0 [hbm:s6], $0xF7A  }
0x23: {  	s9 =	sor.u32 $0xD0000000, s2;
	s6 =	simm.s32 $0x108;
	_ =	swait.ge @!p0 [sflag:s8], $0x0  }
0x24: {  	s3 =	sadd.s32 $0x88, s3;
	s6 =	simm.s32 @!p1 $0x1082;
	[sflag:s4] =	ssyncset.s32 $0xFFFFF086  }
0x25: {  	[simem:s6], [sflag:s4] =	dma.local [hbm:s3], $0xF7A  }
0x26: {  	[smem:$0x3F9F] =	sst s1;
	(tag) =	ssettag s2;
	_ =	strace s9  }
0x27: {  	s1 =	sld [smem:$0x3FAF]  }
0x28: {  	s2 =	sld [smem:$0x3FB0]  }
0x29: {  	s4 =	sld [smem:$0x3FB2]  }
0x2a: {  	p0 =	seq.s32 s5, $0x0;
	s5 =	sld [smem:$0x3FB3]  }
0x2b: {  	s6 =	sld [smem:$0x3FB4]  }
0x2c: {  	s7 =	sld [smem:$0x3FB5]  }
0x2d: {  	s3 =	simm.s32 $0x108;
	s8 =	sld [smem:$0x3FB6]  }
0x2e: {  	s3 =	simm.s32 @!p0 $0x1082;
	s9 =	sld [smem:$0x3FB7]  }
0x2f: {  	lr =	sadd.s32 s0, s3;
	s0 =	sld [smem:$0x3FAE]  }
0x30: {  	s3 =	sld [smem:$0x3FB1]  }
0x31: {  	[smem:$0x3FBA] =	sst s10  }
0x32: {  	s10 =	sld [smem:$0x3FB8];
	_ =	sdelay $0x3  }
0x33: {  	p0 =	seq.s32 s10, $0x1;
	s10 =	sld [smem:$0x3FBA];
	_ =	sdelay $0x3  }
0x34: {  	[smem:$0x3FBA] =	sst s10  }
0x35: {  	s10 =	sld [smem:$0x3FB9];
	_ =	sdelay $0x3  }
0x36: {  	p1 =	seq.s32 s10, $0x1;
	s10 =	sld [smem:$0x3FBA];
	_ =	sdelay $0x3  }
0x37: {  	[smem:$0x3FBA] =	sst s10  }
0x38: {  	s10 =	sld [smem:$0x3FBB]  }
0x39: {  	_ = 	snop;
	(pc) =	sbr.ind lr, $3  }
0x3a: {  	_ = 	snop  }
0x3b: {  	_ = 	snop  }
0x3c: {  	p2 =	seq.s32 s10, $0x1;
	s10 =	sld [smem:$0x3FBA]  }
0x3d: {  	_ =	shalt  }
0x3e: {  	_ =	shalt  }
0x3f: {  	_ =	shalt  }
0x40: {  	_ =	shalt  }
0x41: {  	_ =	shalt  }
0x42: {  	_ =	shalt  }
0x43: {  	_ =	shalt  }
0x44: {  	_ =	shalt  }
0x45: {  	_ =	shalt  }
0x46: {  	_ =	shalt  }
0x47: {  	_ =	shalt  }
0x48: {  	_ =	shalt  }
0x49: {  	_ =	shalt  }
0x4a: {  	_ =	shalt  }
0x4b: {  	_ =	shalt  }
0x4c: {  	_ =	shalt  }
0x4d: {  	_ =	shalt  }
0x4e: {  	_ =	shalt  }
0x4f: {  	_ =	shalt  }
0x50: {  	_ =	shalt  }
0x51: {  	_ =	shalt  }
0x52: {  	_ =	shalt  }
0x53: {  	_ =	shalt  }
0x54: {  	_ =	shalt  }
0x55: {  	_ =	shalt  }
0x56: {  	_ =	shalt  }
0x57: {  	_ =	shalt  }
0x58: {  	_ =	shalt  }
0x59: {  	_ =	shalt  }
0x5a: {  	_ =	shalt  }
0x5b: {  	_ =	shalt  }
0x5c: {  	_ =	shalt  }
0x5d: {  	_ =	shalt  }
0x5e: {  	_ =	shalt  }
0x5f: {  	_ =	shalt  }
0x60: {  	_ =	shalt  }
0x61: {  	_ =	shalt  }
0x62: {  	_ =	shalt  }
0x63: {  	_ =	shalt  }
0x64: {  	_ =	shalt  }
0x65: {  	_ =	shalt  }
0x66: {  	_ =	shalt  }
0x67: {  	_ =	shalt  }
0x68: {  	_ =	shalt  }
0x69: {  	_ =	shalt  }
0x6a: {  	_ =	shalt  }
0x6b: {  	_ =	shalt  }
0x6c: {  	_ =	shalt  }
0x6d: {  	_ =	shalt  }
0x6e: {  	_ =	shalt  }
0x6f: {  	_ =	shalt  }
0x70: {  	_ =	shalt  }
0x71: {  	_ =	shalt  }
0x72: {  	_ =	shalt  }
0x73: {  	_ =	shalt  }
0x74: {  	_ =	shalt  }
0x75: {  	_ =	shalt  }
0x76: {  	_ =	shalt  }
0x77: {  	_ =	shalt  }
0x78: {  	_ =	shalt  }
0x79: {  	_ =	shalt  }
0x7a: {  	_ =	shalt  }
0x7b: {  	_ =	shalt  }
0x7c: {  	_ =	shalt  }
0x7d: {  	_ =	shalt  }
0x7e: {  	_ =	shalt  }
0x7f: {  	_ =	shalt  }
0x80: {  	_ =	shalt  }
0x81: {  	_ =	shalt  }
0x82: {  	_ =	shalt  }
0x83: {  	_ =	shalt  }
0x84: {  	_ =	shalt  }
0x85: {  	_ =	shalt  }
0x86: {  	_ =	shalt  }
0x87: {  	_ =	shalt  }
.Lfunc_end0:
.L_simem_size_0:
called_computation.2_lowered:
.L_overlay_start_0:
0x88: {  	s2 =	sld [smem:$0x3FD9]  }
0x89: {  	s3 =	sld [smem:$0x3FFE];
	_ =	sdelay $0x1  }
0x8a: {  	s1 =	srdreg.scid  }
0x8b: {  	s0 =	sand.u32 $0x1, s1  }
0x8c: {  	s17 =	sshll.u32 s0, $0xA;
	s2 =	sadd.s32 s3, s2  }
0x8d: {  	s2 =	sadd.s32 s2, s17  }
0x8e: {  	[smem:$0x3FC6] =	sst s2  }
0x8f: {  	_ = 	snop  }
0x90: {  	s2 =	sld [smem:$0x3FD0];
	(tm) =	ssettm $0x1  }
0x91: {  	s18 =	sld [smem:$0x3FFB];
	_ =	sdelay $0x3  }
0x92: {  	_ =	strace s18  }
0x93: {  	s3 =	sld [smem:$0x3FFC];
	_ =	sdelay $0x3  }
0x94: {  	_ =	strace s3  }
0x95: {  	s3 =	sld [smem:$0x3FFD];
	_ =	sdelay $0x3  }
0x96: {  	_ =	strace s3  }
0x97: {  	_ =	strace $0x8FFFFFFF  }
0x98: {  	s19 =	sld [smem:$0x3FDB];
	_ =	sdelay $0x1  }
0x99: {  	s4 =	simm.s32 $_scs_section_size  }
0x9a: {  	s5 =	simm.s32 $_size__tile_overlayer_lowered;
	s6 =	simm.s32 $_tile_overlayer_lowered  }
0x9b: {  	s22 =	simm.s32 $0x1BFF;
	s21 =	sshll.u32 s6, $0x1;
	s3 =	sadd.s32 s4, s19  }
0x9c: {  	s7 =	simm.s32 $0x0;
	s20 =	sshll.u32 s5, $0x1;
	s5 =	sadd.s32 s21, s3  }
0x9d: {  	[timem:s7], [sflag:s22] =	dma.local [hbm:s5], s20  }
0x9e: {  	_ =	swait.ge [sflag:s22], s20  }
0x9f: {  	s4 =	ssub.s32 $0x0, s20;
	[sflag:s22] =	ssyncset.done $0x0  }
0xa0: {  	[sflag:s22] =	ssyncadd.s32 s4;
	_ =	sdelay $0x1  }
0xa1: {  	s23 =	simm.s32 $0x1B8B  }
0xa2: {  	_ =	swait.ge [sflag:s23], $0x1  }
0xa3: {  	[sflag:s23] =	ssyncset.done $0x0  }
0xa4: {  	s25 =	simm.s32 $0x1B8E;
	s24 =	sld [smem:$0x3FFE];
	[sflag:s23] =	ssyncadd.s32 $0xFFFFFFFF  }
0xa5: {  	s26 =	simm.s32 $execute0_lowered;
	[smem:$0x3FD2] =	sst s25  }
0xa6: {  	s5 =	sshll.u32 s26, $0x1;
	_ =	strace $0x80000049;
	[dreg:$0x1] =	wrdreg $0xFFFFFFFF  }
0xa7: {  	s28 =	simm.s32 $_size_execute0_lowered;
	s3 =	sadd.s32 s3, s5;
	[dreg:$0x0] =	wrdreg $0x0  }
0xa8: {  	s5 =	sshll.u32 s28, $0x1;
	[dreg:$0x2] =	wrdreg s3  }
0xa9: {  	[dreg:$0x3] =	wrdreg s5  }
0xaa: {  	[dreg:$0x4] =	wrdreg $0xC0  }
0xab: {  	_ =	task [dreg:s7], $0x5FFFF  }
0xac: {  	[dreg:$0x1] =	wrdreg $0xFFFFFFFF  }
0xad: {  	[dreg:$0x0] =	wrdreg $0x60  }
0xae: {  	[dreg:$0x2] =	wrdreg s2  }
0xaf: {  	[dreg:$0x3] =	wrdreg s24  }
0xb0: {  	[dreg:$0x4] =	wrdreg $0x9  }
0xb1: {  	_ =	task.clear_ibuf [dreg:s7], $0x5FFFF;
	_ =	strace $0x90000049  }
0xb2: {  	s29 =	simm.s32 $0x9;
	_ =	strace $0x8000004B  }
0xb3: {  	_ =	swait.ge [sflag:s29], $0x1  }
0xb4: {  	[sflag:s29] =	ssyncadd.s32 $0xFFFFFFFF  }
0xb5: {  	_ =	strace $0x9000004B  }
0xb6: {  	_ =	sfence  }
0xb7: {  	s30 =	sld [smem:$0x0];
	_ =	sdelay $0x2  }
0xb8: {  	s31 =	sshll.u32 s1, $0xD;
	s1 =	sshrl.u32 s1, $0x2  }
0xb9: {  	s3 =	sand.u32 $0x4000, s31;
	s1 =	sadd.s32 s1, s30  }
0xba: {  	s0 =	sor.u32 s3, s0;
	s1 =	sshll.u32 s1, $0x11  }
0xbb: {  	s0 =	sor.u32 s1, s0  }
0xbc: {  	s0 =	sadd.s32 $0x8F2B, s0  }
0xbd: {  	[sflag:s0] =	ssyncadd.remote.s32 $0x1  }
0xbe: {  	_ =	sfence.sel $0xFFFF  }
0xbf: {  	[dreg:$0x0] =	wrdreg $0xFFFFFFFF;
	(pc) =	sbr.abs _section_cstart, $3  }
0xc0: {  	[dreg:$0x1] =	wrdreg $0xFFFFFFFF  }
0xc1: {  	_ =	task.clear_ibuf [dreg:s7], $0x2FFFF;
	_ =	strace $0x9FFFFFFF  }
0xc2: {  	(tm) =	ssettm $0x7FFFFFFF  }
0xc3: {  	_ =	shalt  }
tec
execute0_lowered:
.L_overlay_start_1:
0x0: {  	(tag) =	ssettag $0x1  }
0x1: {  	s0 =	srdreg.scid;
	s11 =	stileid.u32  }
0x2: {  	s0 =	sand.u32 $0x1, s0;
	s1 =	sshll.u32 s11, $0x1  }
0x3: {  	s11 =	smul.u32 $0xC800, s11;
	s1 =	sor.u32 s0, s1  }
0x4: {  	s2 =	smul.u32 $0x6400, s1  }
0x5: {  	s22 =	smul.u32 $0x6400, s0  }
0x6: {  	s1 =	smul.u32 $0x64000, s1;
	s3 =	sor.u32 $0x190, s2  }
0x7: {  	s4 =	sor.u32 $0x320, s2;
	s3 =	smulhi.u32 $0x147AE15, s3  }
0x8: {  	s23 =	sadd.s32 $0x6270, s2;
	s4 =	smulhi.u32 $0x147AE15, s4  }
0x9: {  	s9 =	rddreg [dreg:$0x0];
	s24 =	smulhi.u32 $0x147AE15, s23  }
0xa: {  	s10 =	rddreg [dreg:$0x1];
	s5 =	smul.u32 $0xC80, s3  }
0xb: {  	s12 =	simm.s32 $0x0;
	s18 =	sadd.s32 $0x4B0, s2;
	s6 =	smul.u32 $0xC80, s4  }
0xc: {  	s29 =	simm.s32 $0x12C00;
	s19 =	sadd.s32 $0x5DC0, s2;
	s3 =	smulhi.u32 $0x147AE15, s18  }
0xd: {  	s31 =	simm.s32 $0x15E00;
	s28 =	simm.s32 $0x19000;
	s4 =	smulhi.u32 $0x147AE15, s19  }
0xe: {  	s30 =	simm.s32 $0x2;
	[smem:$0x7FF] =	sst s12;
	s16 =	smul.u32 $0xC80, s24  }
0xf: {  	_ =	strace $0x8000004A;
	s0 =	ssub.s32 $0x2, s0;
	s7 =	smul.u32 $0xC80, s3  }
0x10: {  	s26 =	sshrl.u32 s0, $0x1;
	s20 =	sadd.s32 $0x5F50, s2;
	s8 =	smul.u32 $0xC80, s4  }
0x11: {  	s21 =	sadd.s32 $0x60E0, s2;
	s18 =	sadd.s32 s22, s11;
	s3 =	smulhi.u32 $0x147AE15, s20  }
0x12: {  	s2 =	sshrl.u32 s2, $0x3;
	s25 =	sadd.s32 $0x960, s18;
	s4 =	smulhi.u32 $0x147AE15, s21  }
0x13: {  	s2 =	sadd.s32 s9, s2;
	s17 =	sadd.s32 $0x7D0, s18;
	s15 =	smulhi.u32 $0x147AE15, s25  }
0x14: {  	s0 =	ssub.s32 s0, s26;
	[dreg:$0x3] =	wrdreg s2;
	s19 =	smulhi.u32 $0x147AE15, s17  }
0x15: {  	s20 =	sadd.s32 $0xAF0, s18;
	s14 =	smul.u32 $0xC80, s4;
	s4 =	sadd.s32 $0xE00, s10  }
0x16: {  	s18 =	sadd.s32 $0x640, s18;
	s22 =	smulhi.u32 $0x147AE15, s20;
	s1 =	sadd.s32 s4, s1  }
0x17: {  	s20 =	simm.s32 $0xC8;
	s21 =	sadd.s32 s4, s5;
	[dreg:$0x4] =	wrdreg s1  }
0x18: {  	s13 =	smul.u32 $0xC80, s3;
	s23 =	sadd.s32 s4, s6;
	[dreg:$0x5] =	wrdreg s21  }
0x19: {  	s3 =	sadd.s32 $0xF43200, s10;
	s24 =	sadd.s32 s4, s7;
	[dreg:$0x6] =	wrdreg s23  }
0x1a: {  	s15 =	smul.u32 $0xC80, s15;
	s25 =	sadd.s32 s4, s8;
	[dreg:$0x7] =	wrdreg s24  }
0x1b: {  	s2 =	smul.u32 $0xC80, s19;
	s19 =	simm.s32 $0x3;
	[dreg:$0x8] =	wrdreg s25  }
0x1c: {  	s26 =	sadd.s32 s4, s13;
	s1 =	smul.u32 $0xC80, s22;
	s12 =	sadd.s32 s4, s14  }
0x1d: {  	s13 =	sadd.s32 s4, s16;
	s14 =	smax.u32 s0, $0x1;
	s15 =	sadd.s32 s15, s4  }
0x1e: {  	s16 =	sadd.s32 s2, s4;
	s21 =	simm.s32 $0x6400;
	s22 =	simm.s32 $0x9600  }
0x1f: {  	s24 =	simm.s32 $0xC800;
	s0 =	simm.s32 $0x40;
	s23 =	simm.s32 $0x80  }
0x20: {  	s25 =	simm.s32 $0x1C200;
	s2 =	simm.s32 $0x0;
	[dreg:$0x9] =	wrdreg s26  }
0x21: {  	s26 =	simm.s32 $0xFA00;
	s17 =	sadd.s32 s1, s4;
	s1 =	simm.s32 $0x1  }
.LBB2_1:
0x22: {  	s5 =	simm.s32 $0x0;
	s6 =	rddreg [dreg:$0x3]  }
0x23: {  	[tilespmem:s5], [sflag:$0x3] =	stream.linear.gather [hbm4b:s6+s5], $0x6400, $0x38;
	[tilespmem:$0x1F400] =	vst v63  }
0x24: {  	_ =	swait.ge [sflag:s19], $0x6400  }
0x25: {  	[sflag:s19] =	ssyncset.done $0x0  }
0x26: {  	[sflag:s19] =	ssyncadd.s32 $0xFFFF9C00  }
0x27: {  	[tilespmem:s21], [sflag:$0x1] =	stream.indirect.gather [hbm4b:s3+s20], $0x40, s5, s20, $0xb8;
	[tilespmem:$0x1F400] =	vst v63  }
0x28: {  	_ = 	snop  }
0x29: {  	[tilespmem:s22], [sflag:$0x1] =	stream.indirect.gather [hbm4b:s3+s20], $0x40, s20, s20, $0xb8;
	[tilespmem:$0x1F400] =	vst v63  }
0x2a: {  	s6 =	simm.s32 $0x190  }
0x2b: {  	[tilespmem:s24], [sflag:$0x1] =	stream.indirect.gather [hbm4b:s3+s20], $0x40, s6, s20, $0xb8;
	[tilespmem:$0x1F400] =	vst v63  }
0x2c: {  	s7 =	simm.s32 $0x258  }
0x2d: {  	[tilespmem:s26], [sflag:$0x1] =	stream.indirect.gather [hbm4b:s3+s20], $0x40, s7, s20, $0xb8;
	[tilespmem:$0x1F400] =	vst v63  }
0x2e: {  	s8 =	simm.s32 $0x320  }
0x2f: {  	[tilespmem:s29], [sflag:$0x1] =	stream.indirect.gather [hbm4b:s3+s20], $0x40, s8, s20, $0xb8;
	[tilespmem:$0x1F400] =	vst v63  }
0x30: {  	s9 =	simm.s32 $0x3E8  }
0x31: {  	[tilespmem:s31], [sflag:$0x1] =	stream.indirect.gather [hbm4b:s3+s20], $0x40, s9, s20, $0xb8;
	[tilespmem:$0x1F400] =	vst v63  }
0x32: {  	_ =	swait.ge [sflag:s1], $0x3200  }
0x33: {  	[sflag:s1] =	ssyncset.done $0x0  }
0x34: {  	[sflag:s1] =	ssyncadd.s32 $0xFFFFCE00  }
0x35: {  	_ =	swait.ge [sflag:s1], $0x3200  }
0x36: {  	[sflag:s1] =	ssyncset.done $0x0  }
0x37: {  	s10 =	rddreg [dreg:$0x4];
	[sflag:s1] =	ssyncadd.s32 $0xFFFFCE00  }
0x38: {  	[hbm4b:s10+s0] =	stream.strided.scatter [tilespmem:s21], [sflag:$0x2], $0x6400, s23, s0, $0x38;
	[tilespmem:$0x1F400] =	vst v63  }
0x39: {  	s11 =	simm.s32 $0x4B0  }
0x3a: {  	[tilespmem:s28], [sflag:$0x1] =	stream.indirect.gather [hbm4b:s3+s20], $0x40, s11, s20, $0xb8;
	[tilespmem:$0x1F400] =	vst v63  }
0x3b: {  	s6 =	simm.s32 $0x578  }
0x3c: {  	[tilespmem:s25], [sflag:$0x1] =	stream.indirect.gather [hbm4b:s3+s20], $0x40, s6, s20, $0xb8;
	[tilespmem:$0x1F400] =	vst v63  }
0x3d: {  	_ =	swait.ge [sflag:s30], $0x6400  }
0x3e: {  	[sflag:s30] =	ssyncset.done $0x0  }
0x3f: {  	[sflag:s30] =	ssyncadd.s32 $0xFFFF9C00  }
0x40: {  	_ =	swait.ge [sflag:s1], $0x3200  }
0x41: {  	[sflag:s1] =	ssyncset.done $0x0  }
0x42: {  	[sflag:s1] =	ssyncadd.s32 $0xFFFFCE00  }
0x43: {  	_ =	swait.ge [sflag:s1], $0x3200  }
0x44: {  	[sflag:s1] =	ssyncset.done $0x0  }
0x45: {  	s7 =	rddreg [dreg:$0x5];
	[sflag:s1] =	ssyncadd.s32 $0xFFFFCE00  }
0x46: {  	[hbm4b:s7+s0] =	stream.strided.scatter [tilespmem:s24], [sflag:$0x2], $0x6400, s23, s0, $0x38;
	[tilespmem:$0x1F400] =	vst v63  }
0x47: {  	s8 =	simm.s32 $0x640  }
0x48: {  	[tilespmem:s21], [sflag:$0x1] =	stream.indirect.gather [hbm4b:s3+s20], $0x40, s8, s20, $0xb8;
	[tilespmem:$0x1F400] =	vst v63  }
0x49: {  	s9 =	simm.s32 $0x708  }
0x4a: {  	[tilespmem:s22], [sflag:$0x1] =	stream.indirect.gather [hbm4b:s3+s20], $0x40, s9, s20, $0xb8;
	[tilespmem:$0x1F400] =	vst v63  }
0x4b: {  	_ =	swait.ge [sflag:s30], $0x6400  }
0x4c: {  	[sflag:s30] =	ssyncset.done $0x0  }
0x4d: {  	[sflag:s30] =	ssyncadd.s32 $0xFFFF9C00  }
0x4e: {  	_ =	swait.ge [sflag:s1], $0x3200  }
0x4f: {  	[sflag:s1] =	ssyncset.done $0x0  }
0x50: {  	[sflag:s1] =	ssyncadd.s32 $0xFFFFCE00  }
0x51: {  	_ =	swait.ge [sflag:s1], $0x3200  }
0x52: {  	[sflag:s1] =	ssyncset.done $0x0  }
0x53: {  	s10 =	rddreg [dreg:$0x6];
	[sflag:s1] =	ssyncadd.s32 $0xFFFFCE00  }
0x54: {  	[hbm4b:s10+s0] =	stream.strided.scatter [tilespmem:s29], [sflag:$0x2], $0x6400, s23, s0, $0x38;
	[tilespmem:$0x1F400] =	vst v63  }
0x55: {  	s11 =	simm.s32 $0x7D0  }
0x56: {  	[tilespmem:s24], [sflag:$0x1] =	stream.indirect.gather [hbm4b:s3+s20], $0x40, s11, s20, $0xb8;
	[tilespmem:$0x1F400] =	vst v63  }
0x57: {  	s6 =	simm.s32 $0x898  }
0x58: {  	[tilespmem:s26], [sflag:$0x1] =	stream.indirect.gather [hbm4b:s3+s20], $0x40, s6, s20, $0xb8;
	[tilespmem:$0x1F400] =	vst v63  }
0x59: {  	_ =	swait.ge [sflag:s30], $0x6400  }
0x5a: {  	[sflag:s30] =	ssyncset.done $0x0  }
0x5b: {  	[sflag:s30] =	ssyncadd.s32 $0xFFFF9C00  }
0x5c: {  	_ =	swait.ge [sflag:s1], $0x3200  }
0x5d: {  	[sflag:s1] =	ssyncset.done $0x0  }
0x5e: {  	[sflag:s1] =	ssyncadd.s32 $0xFFFFCE00  }
0x5f: {  	_ =	swait.ge [sflag:s1], $0x3200  }
0x60: {  	[sflag:s1] =	ssyncset.done $0x0  }
0x61: {  	s7 =	rddreg [dreg:$0x7];
	[sflag:s1] =	ssyncadd.s32 $0xFFFFCE00  }
0x62: {  	[hbm4b:s7+s0] =	stream.strided.scatter [tilespmem:s28], [sflag:$0x2], $0x6400, s23, s0, $0x38;
	[tilespmem:$0x1F400] =	vst v63  }
0x63: {  	s8 =	simm.s32 $0x960  }
0x64: {  	[tilespmem:s29], [sflag:$0x1] =	stream.indirect.gather [hbm4b:s3+s20], $0x40, s8, s20, $0xb8;
	[tilespmem:$0x1F400] =	vst v63  }
0x65: {  	s9 =	simm.s32 $0xA28  }
0x66: {  	[tilespmem:s31], [sflag:$0x1] =	stream.indirect.gather [hbm4b:s3+s20], $0x40, s9, s20, $0xb8;
	[tilespmem:$0x1F400] =	vst v63  }
0x67: {  	_ =	swait.ge [sflag:s30], $0x6400  }
0x68: {  	[sflag:s30] =	ssyncset.done $0x0  }
0x69: {  	[sflag:s30] =	ssyncadd.s32 $0xFFFF9C00  }
0x6a: {  	s10 =	smulhi.u32 $0x51EB851F, s18;
	_ =	swait.ge [sflag:s1], $0x3200  }
0x6b: {  	[sflag:s1] =	ssyncset.done $0x0  }
0x6c: {  	s5 =	sshrl.u32 s10, $0x6;
	[sflag:s1] =	ssyncadd.s32 $0xFFFFCE00  }
0x6d: {  	s5 =	smul.u32 $0xC80, s5;
	_ =	swait.ge [sflag:s1], $0x3200  }
0x6e: {  	[sflag:s1] =	ssyncset.done $0x0  }
0x6f: {  	s5 =	sadd.s32 s4, s5;
	[sflag:s1] =	ssyncadd.s32 $0xFFFFCE00  }
0x70: {  	[hbm4b:s5+s0] =	stream.strided.scatter [tilespmem:s21], [sflag:$0x2], $0x6400, s23, s0, $0x38;
	[tilespmem:$0x1F400] =	vst v63  }
0x71: {  	s11 =	simm.s32 $0xAF0  }
0x72: {  	[tilespmem:s28], [sflag:$0x1] =	stream.indirect.gather [hbm4b:s3+s20], $0x40, s11, s20, $0xb8;
	[tilespmem:$0x1F400] =	vst v63  }
0x73: {  	s6 =	simm.s32 $0xBB8  }
0x74: {  	[tilespmem:s25], [sflag:$0x1] =	stream.indirect.gather [hbm4b:s3+s20], $0x40, s6, s20, $0xb8;
	[tilespmem:$0x1F400] =	vst v63  }
0x75: {  	_ =	swait.ge [sflag:s30], $0x6400  }
0x76: {  	[sflag:s30] =	ssyncset.done $0x0  }
0x77: {  	[sflag:s30] =	ssyncadd.s32 $0xFFFF9C00  }
0x78: {  	_ =	swait.ge [sflag:s1], $0x3200  }
0x79: {  	[sflag:s1] =	ssyncset.done $0x0  }
0x7a: {  	[sflag:s1] =	ssyncadd.s32 $0xFFFFCE00  }
0x7b: {  	_ =	swait.ge [sflag:s1], $0x3200  }
0x7c: {  	[sflag:s1] =	ssyncset.done $0x0  }
0x7d: {  	[sflag:s1] =	ssyncadd.s32 $0xFFFFCE00  }
0x7e: {  	[hbm4b:s16+s0] =	stream.strided.scatter [tilespmem:s24], [sflag:$0x2], $0x6400, s23, s0, $0x38;
	[tilespmem:$0x1F400] =	vst v63  }
0x7f: {  	s7 =	simm.s32 $0xC80  }
0x80: {  	[tilespmem:s21], [sflag:$0x1] =	stream.indirect.gather [hbm4b:s3+s20], $0x40, s7, s20, $0xb8;
	[tilespmem:$0x1F400] =	vst v63  }
0x81: {  	s8 =	simm.s32 $0xD48  }
0x82: {  	[tilespmem:s22], [sflag:$0x1] =	stream.indirect.gather [hbm4b:s3+s20], $0x40, s8, s20, $0xb8;
	[tilespmem:$0x1F400] =	vst v63  }
0x83: {  	_ =	swait.ge [sflag:s30], $0x6400  }
0x84: {  	[sflag:s30] =	ssyncset.done $0x0  }
0x85: {  	[sflag:s30] =	ssyncadd.s32 $0xFFFF9C00  }
0x86: {  	_ =	swait.ge [sflag:s1], $0x3200  }
0x87: {  	[sflag:s1] =	ssyncset.done $0x0  }
0x88: {  	[sflag:s1] =	ssyncadd.s32 $0xFFFFCE00  }
0x89: {  	_ =	swait.ge [sflag:s1], $0x3200  }
0x8a: {  	[sflag:s1] =	ssyncset.done $0x0  }
0x8b: {  	[sflag:s1] =	ssyncadd.s32 $0xFFFFCE00  }
0x8c: {  	[hbm4b:s15+s0] =	stream.strided.scatter [tilespmem:s29], [sflag:$0x2], $0x6400, s23, s0, $0x38;
	[tilespmem:$0x1F400] =	vst v63  }
0x8d: {  	s9 =	simm.s32 $0xE10  }
0x8e: {  	[tilespmem:s24], [sflag:$0x1] =	stream.indirect.gather [hbm4b:s3+s20], $0x40, s9, s20, $0xb8;
	[tilespmem:$0x1F400] =	vst v63  }
0x8f: {  	s10 =	simm.s32 $0xED8  }
0x90: {  	[tilespmem:s26], [sflag:$0x1] =	stream.indirect.gather [hbm4b:s3+s20], $0x40, s10, s20, $0xb8;
	[tilespmem:$0x1F400] =	vst v63  }
0x91: {  	_ =	swait.ge [sflag:s30], $0x6400  }
0x92: {  	[sflag:s30] =	ssyncset.done $0x0  }
0x93: {  	[sflag:s30] =	ssyncadd.s32 $0xFFFF9C00  }
0x94: {  	_ =	swait.ge [sflag:s1], $0x3200  }
0x95: {  	[sflag:s1] =	ssyncset.done $0x0  }
0x96: {  	[sflag:s1] =	ssyncadd.s32 $0xFFFFCE00  }
0x97: {  	_ =	swait.ge [sflag:s1], $0x3200  }
0x98: {  	s5 =	simm.s32 $0x1900;
	s11 =	simm.s32 $0xFA0;
	[sflag:s1] =	ssyncset.done $0x0  }
0x99: {  	s6 =	sadd.s32 $0x6400, s17;
	s7 =	sadd.s32 $0x640, s18;
	[sflag:s1] =	ssyncadd.s32 $0xFFFFCE00  }
0x9a: {  	[hbm4b:s17+s0] =	stream.strided.scatter [tilespmem:s28], [sflag:$0x2], $0x6400, s23, s0, $0x38;
	[tilespmem:$0x1F400] =	vst v63  }
0x9b: {  	s8 =	sadd.s32 $0x6400, s15;
	s9 =	sadd.s32 $0x6400, s16;
	s10 =	simm.s32 $0x1068  }
0x9c: {  	[tilespmem:s29], [sflag:$0x1] =	stream.indirect.gather [hbm4b:s3+s20], $0x40, s11, s20, $0xb8;
	[tilespmem:$0x1F400] =	vst v63  }
.LBB2_2:
0x9d: {  	[tilespmem:s31], [sflag:$0x1] =	stream.indirect.gather [hbm4b:s3+s20], $0x40, s10, s20, $0xb8;
	[tilespmem:$0x1F400] =	vst v63  }
0x9e: {  	s10 =	smov.u32 s5  }
0x9f: {  	p0 =	sne.s32 s5, $0x14500;
	s5 =	sadd.s32 $0x1900, s5;
	_ =	swait.ge [sflag:s30], $0x6400  }
0xa0: {  	[sflag:s30] =	ssyncset.done $0x0  }
0xa1: {  	[sflag:s30] =	ssyncadd.s32 $0xFFFF9C00  }
0xa2: {  	s11 =	smulhi.u32 $0x51EB851F, s7;
	_ =	swait.ge [sflag:s1], $0x3200  }
0xa3: {  	[sflag:s1] =	ssyncset.done $0x0  }
0xa4: {  	s11 =	sshrl.u32 s11, $0x6;
	[sflag:s1] =	ssyncadd.s32 $0xFFFFCE00  }
0xa5: {  	s11 =	smul.u32 $0xC80, s11;
	_ =	swait.ge [sflag:s1], $0x3200  }
0xa6: {  	[sflag:s1] =	ssyncset.done $0x0  }
0xa7: {  	s10 =	sshra.s32 s10, $0x2;
	s11 =	sadd.s32 s4, s11;
	[sflag:s1] =	ssyncadd.s32 $0xFFFFCE00  }
0xa8: {  	[hbm4b:s11+s0] =	stream.strided.scatter [tilespmem:s21], [sflag:$0x2], $0x6400, s23, s0, $0x38;
	[tilespmem:$0x1F400] =	vst v63  }
0xa9: {  	s11 =	sadd.s32 $0xAF0, s10  }
0xaa: {  	[tilespmem:s28], [sflag:$0x1] =	stream.indirect.gather [hbm4b:s3+s20], $0x40, s11, s20, $0xb8;
	[tilespmem:$0x1F400] =	vst v63  }
0xab: {  	s11 =	sadd.s32 $0xBB8, s10  }
0xac: {  	[tilespmem:s25], [sflag:$0x1] =	stream.indirect.gather [hbm4b:s3+s20], $0x40, s11, s20, $0xb8;
	[tilespmem:$0x1F400] =	vst v63  }
0xad: {  	_ =	swait.ge [sflag:s30], $0x6400  }
0xae: {  	[sflag:s30] =	ssyncset.done $0x0  }
0xaf: {  	[sflag:s30] =	ssyncadd.s32 $0xFFFF9C00  }
0xb0: {  	_ =	swait.ge [sflag:s1], $0x3200  }
0xb1: {  	[sflag:s1] =	ssyncset.done $0x0  }
0xb2: {  	[sflag:s1] =	ssyncadd.s32 $0xFFFFCE00  }
0xb3: {  	_ =	swait.ge [sflag:s1], $0x3200  }
0xb4: {  	[sflag:s1] =	ssyncset.done $0x0  }
0xb5: {  	[sflag:s1] =	ssyncadd.s32 $0xFFFFCE00  }
0xb6: {  	[hbm4b:s9+s0] =	stream.strided.scatter [tilespmem:s24], [sflag:$0x2], $0x6400, s23, s0, $0x38;
	[tilespmem:$0x1F400] =	vst v63  }
0xb7: {  	s11 =	sadd.s32 $0xC80, s10  }
0xb8: {  	[tilespmem:s21], [sflag:$0x1] =	stream.indirect.gather [hbm4b:s3+s20], $0x40, s11, s20, $0xb8;
	[tilespmem:$0x1F400] =	vst v63  }
0xb9: {  	s11 =	sadd.s32 $0xD48, s10  }
0xba: {  	[tilespmem:s22], [sflag:$0x1] =	stream.indirect.gather [hbm4b:s3+s20], $0x40, s11, s20, $0xb8;
	[tilespmem:$0x1F400] =	vst v63  }
0xbb: {  	_ =	swait.ge [sflag:s30], $0x6400  }
0xbc: {  	[sflag:s30] =	ssyncset.done $0x0  }
0xbd: {  	[sflag:s30] =	ssyncadd.s32 $0xFFFF9C00  }
0xbe: {  	_ =	swait.ge [sflag:s1], $0x3200  }
0xbf: {  	[sflag:s1] =	ssyncset.done $0x0  }
0xc0: {  	[sflag:s1] =	ssyncadd.s32 $0xFFFFCE00  }
0xc1: {  	_ =	swait.ge [sflag:s1], $0x3200  }
0xc2: {  	[sflag:s1] =	ssyncset.done $0x0  }
0xc3: {  	[sflag:s1] =	ssyncadd.s32 $0xFFFFCE00  }
0xc4: {  	[hbm4b:s8+s0] =	stream.strided.scatter [tilespmem:s29], [sflag:$0x2], $0x6400, s23, s0, $0x38;
	[tilespmem:$0x1F400] =	vst v63  }
0xc5: {  	s11 =	sadd.s32 $0xE10, s10  }
0xc6: {  	[tilespmem:s24], [sflag:$0x1] =	stream.indirect.gather [hbm4b:s3+s20], $0x40, s11, s20, $0xb8;
	[tilespmem:$0x1F400] =	vst v63  }
0xc7: {  	s11 =	sadd.s32 $0xED8, s10  }
0xc8: {  	[tilespmem:s26], [sflag:$0x1] =	stream.indirect.gather [hbm4b:s3+s20], $0x40, s11, s20, $0xb8;
	[tilespmem:$0x1F400] =	vst v63  }
0xc9: {  	_ =	swait.ge [sflag:s30], $0x6400  }
0xca: {  	[sflag:s30] =	ssyncset.done $0x0  }
0xcb: {  	[sflag:s30] =	ssyncadd.s32 $0xFFFF9C00  }
0xcc: {  	_ =	swait.ge [sflag:s1], $0x3200  }
0xcd: {  	[sflag:s1] =	ssyncset.done $0x0  }
0xce: {  	[sflag:s1] =	ssyncadd.s32 $0xFFFFCE00  }
0xcf: {  	_ =	swait.ge [sflag:s1], $0x3200  }
0xd0: {  	[sflag:s1] =	ssyncset.done $0x0  }
.Ltmp0:
0xd1: {  	[sflag:s1] =	ssyncadd.s32 $0xFFFFCE00;
	(pc) =	sbr.rel @p0 .LBB2_2-.Ltmp0, $4  }
0xd2: {  	[hbm4b:s6+s0] =	stream.strided.scatter [tilespmem:s28], [sflag:$0x2], $0x6400, s23, s0, $0x38;
	[tilespmem:$0x1F400] =	vst v63  }
0xd3: {  	s7 =	sadd.s32 $0x640, s7;
	s11 =	sadd.s32 $0xFA0, s10;
	s6 =	sadd.s32 $0x6400, s6  }
0xd4: {  	[tilespmem:s29], [sflag:$0x1] =	stream.indirect.gather [hbm4b:s3+s20], $0x40, s11, s20, $0xb8;
	[tilespmem:$0x1F400] =	vst v63  }
0xd5: {  	s9 =	sadd.s32 $0x6400, s9;
	s8 =	sadd.s32 $0x6400, s8;
	s10 =	sadd.s32 $0x1068, s10  }
0xd6: {  	[tilespmem:s31], [sflag:$0x1] =	stream.indirect.gather [hbm4b:s3+s20], $0x40, s10, s20, $0xb8;
	[tilespmem:$0x1F400] =	vst v63  }
0xd7: {  	_ =	swait.ge [sflag:s30], $0x6400  }
0xd8: {  	[sflag:s30] =	ssyncset.done $0x0  }
0xd9: {  	[sflag:s30] =	ssyncadd.s32 $0xFFFF9C00  }
0xda: {  	_ =	swait.ge [sflag:s1], $0x3200  }
0xdb: {  	[sflag:s1] =	ssyncset.done $0x0  }
0xdc: {  	[sflag:s1] =	ssyncadd.s32 $0xFFFFCE00  }
0xdd: {  	_ =	swait.ge [sflag:s1], $0x3200  }
0xde: {  	[sflag:s1] =	ssyncset.done $0x0  }
0xdf: {  	s5 =	rddreg [dreg:$0x8];
	[sflag:s1] =	ssyncadd.s32 $0xFFFFCE00  }
0xe0: {  	[hbm4b:s5+s0] =	stream.strided.scatter [tilespmem:s21], [sflag:$0x2], $0x6400, s23, s0, $0x38;
	[tilespmem:$0x1F400] =	vst v63  }
0xe1: {  	s9 =	simm.s32 $0x6270  }
0xe2: {  	[tilespmem:s28], [sflag:$0x1] =	stream.indirect.gather [hbm4b:s3+s20], $0x40, s9, s20, $0xb8;
	[tilespmem:$0x1F400] =	vst v63  }
0xe3: {  	s10 =	simm.s32 $0x6338  }
0xe4: {  	[tilespmem:s25], [sflag:$0x1] =	stream.indirect.gather [hbm4b:s3+s20], $0x40, s10, s20, $0xb8;
	[tilespmem:$0x1F400] =	vst v63  }
0xe5: {  	_ =	swait.ge [sflag:s30], $0x6400  }
0xe6: {  	[sflag:s30] =	ssyncset.done $0x0  }
0xe7: {  	[sflag:s30] =	ssyncadd.s32 $0xFFFF9C00  }
0xe8: {  	_ =	swait.ge [sflag:s1], $0x3200  }
0xe9: {  	[sflag:s1] =	ssyncset.done $0x0  }
0xea: {  	[sflag:s1] =	ssyncadd.s32 $0xFFFFCE00  }
0xeb: {  	_ =	swait.ge [sflag:s1], $0x3200  }
0xec: {  	[sflag:s1] =	ssyncset.done $0x0  }
0xed: {  	s11 =	rddreg [dreg:$0x9];
	[sflag:s1] =	ssyncadd.s32 $0xFFFFCE00  }
0xee: {  	[hbm4b:s11+s0] =	stream.strided.scatter [tilespmem:s24], [sflag:$0x2], $0x6400, s23, s0, $0x38;
	[tilespmem:$0x1F400] =	vst v63  }
0xef: {  	_ =	swait.ge [sflag:s30], $0x6400  }
0xf0: {  	[sflag:s30] =	ssyncset.done $0x0  }
0xf1: {  	[sflag:s30] =	ssyncadd.s32 $0xFFFF9C00  }
0xf2: {  	_ =	swait.ge [sflag:s1], $0x3200  }
0xf3: {  	[sflag:s1] =	ssyncset.done $0x0  }
0xf4: {  	[sflag:s1] =	ssyncadd.s32 $0xFFFFCE00  }
0xf5: {  	_ =	swait.ge [sflag:s1], $0x3200  }
0xf6: {  	[sflag:s1] =	ssyncset.done $0x0  }
0xf7: {  	[sflag:s1] =	ssyncadd.s32 $0xFFFFCE00  }
0xf8: {  	[hbm4b:s12+s0] =	stream.strided.scatter [tilespmem:s29], [sflag:$0x2], $0x6400, s23, s0, $0x38;
	[tilespmem:$0x1F400] =	vst v63  }
0xf9: {  	_ =	swait.ge [sflag:s30], $0x6400  }
0xfa: {  	[sflag:s30] =	ssyncset.done $0x0  }
0xfb: {  	[sflag:s30] =	ssyncadd.s32 $0xFFFF9C00  }
0xfc: {  	_ =	swait.ge [sflag:s1], $0x3200  }
0xfd: {  	[sflag:s1] =	ssyncset.done $0x0  }
0xfe: {  	[sflag:s1] =	ssyncadd.s32 $0xFFFFCE00  }
0xff: {  	s2 =	sadd.s32 $0x1, s2;
	_ =	swait.ge [sflag:s1], $0x3200  }
0x100: {  	p0 =	sne.s32 s2, s14;
	[sflag:s1] =	ssyncset.done $0x0  }
.Ltmp1:
0x101: {  	[sflag:s1] =	ssyncadd.s32 $0xFFFFCE00;
	(pc) =	sbr.rel @p0 .LBB2_1-.Ltmp1, $4  }
0x102: {  	[hbm4b:s13+s0] =	stream.strided.scatter [tilespmem:s28], [sflag:$0x2], $0x6400, s23, s0, $0x38;
	[tilespmem:$0x1F400] =	vst v63  }
0x103: {  	_ =	swait.ge [sflag:s30], $0x6400  }
0x104: {  	[sflag:s30] =	ssyncset.done $0x0  }
0x105: {  	[sflag:s30] =	ssyncadd.s32 $0xFFFF9C00  }
0x106: {  	_ =	sfence.sel $0x180000  }
0x107: {  	[bflag:$0x0] =	sbarrier.arrive $0xFFFF  }
0x108: {  	_ =	strace $0x9000004A  }
0x109: {  	s0 =	stileid.u32;
	[bflag:$0x2] =	sbarrier.arrive $0xFFFF  }
0x10a: {  	p0 =	sne.s32 s0, $0x0;
	s0 =	rddreg [dreg:$0x2]  }
0x10b: {  	s0 =	sadd.s32 @!p0 $0x100000, s0  }
0x10c: {  	[sflag:s0] =	ssyncadd.tile.s32 @!p0 $0x1;
	_ =	shalt  }
.Lfunc_end2:
_tile_overlayer_lowered:
.L_overlay_start_2:
0x10d: {  	(tag) =	ssettag $0x2  }
0x10e: {  	s0 =	rddreg [dreg:$0x0];
	s2 =	stileid.u32  }
0x10f: {  	s1 =	rddreg [dreg:$0x1];
	p0 =	sne.s32 s2, $0x0  }
0x110: {  	s3 =	rddreg [dreg:$0x2];
	[bflag:$0x3] =	sbarrier.arrive $0xFFFF;
	s2 =	simm.s32 @!p0 $0x1C03  }
0x111: {  	[timem:s3], [sflag:s2] =	dma.local @!p0 [hbm:s0], s1  }
0x112: {  	s0 =	simm.s32 @!p0 $0x3  }
0x113: {  	_ =	swait.ge @!p0 [sflag:s0], s1  }
0x114: {  	s1 =	ssub.s32 @!p0 $0x0, s1;
	[sflag:s0] =	ssyncset.done @!p0 $0x0  }
0x115: {  	[sflag:s0] =	ssyncadd.s32 @!p0 s1  }
0x116: {  	[bflag:$0x3] =	sbarrier.arrive $0xFFFF  }
0x117: {  	_ =	shalt  }

// kernel: sparse-core-data-format-call.1.cloned.1.call-start
scs
called_computation.1_lowered:
.L_overlay_start_0:
0x0: {  	s2 =	sld [smem:$0x3FD9]  }
0x1: {  	s3 =	sld [smem:$0x3FFE];
	_ =	sdelay $0x1  }
0x2: {  	s1 =	srdreg.scid  }
0x3: {  	s0 =	sand.u32 $0x1, s1  }
0x4: {  	s18 =	sshll.u32 s0, $0xA;
	s2 =	sadd.s32 s3, s2  }
0x5: {  	s2 =	sadd.s32 s2, s18  }
0x6: {  	[smem:$0x3FC6] =	sst s2  }
0x7: {  	_ = 	snop  }
0x8: {  	s2 =	sld [smem:$0x3FC8];
	(tm) =	ssettm $0x1  }
0x9: {  	s19 =	sld [smem:$0x3FFB];
	_ =	sdelay $0x3  }
0xa: {  	_ =	strace s19  }
0xb: {  	s3 =	sld [smem:$0x3FFC];
	_ =	sdelay $0x3  }
0xc: {  	_ =	strace s3  }
0xd: {  	s3 =	sld [smem:$0x3FFD];
	_ =	sdelay $0x3  }
0xe: {  	_ =	strace s3  }
0xf: {  	_ =	strace $0x8FFFFFFF  }
0x10: {  	s20 =	sld [smem:$0x3FDB];
	_ =	sdelay $0x1  }
0x11: {  	s4 =	simm.s32 $_scs_section_size  }
0x12: {  	s5 =	simm.s32 $_size__tile_overlayer_lowered;
	s6 =	simm.s32 $_tile_overlayer_lowered  }
0x13: {  	s23 =	simm.s32 $0x1BFF;
	s22 =	sshll.u32 s6, $0x1;
	s3 =	sadd.s32 s4, s20  }
0x14: {  	s7 =	simm.s32 $0x0;
	s21 =	sshll.u32 s5, $0x1;
	s5 =	sadd.s32 s22, s3  }
0x15: {  	[timem:s7], [sflag:s23] =	dma.local [hbm:s5], s21  }
0x16: {  	_ =	swait.ge [sflag:s23], s21  }
0x17: {  	s4 =	ssub.s32 $0x0, s21;
	[sflag:s23] =	ssyncset.done $0x0  }
0x18: {  	[sflag:s23] =	ssyncadd.s32 s4;
	_ =	sdelay $0x1  }
0x19: {  	s24 =	simm.s32 $0x1B8B  }
0x1a: {  	_ =	swait.ge [sflag:s24], $0x1  }
0x1b: {  	[sflag:s24] =	ssyncset.done $0x0  }
0x1c: {  	s26 =	simm.s32 $0x1B8E;
	s25 =	sld [smem:$0x3FFE];
	[sflag:s24] =	ssyncadd.s32 $0xFFFFFFFF  }
0x1d: {  	s27 =	simm.s32 $execute0_lowered;
	[smem:$0x3FD2] =	sst s26  }
0x1e: {  	s5 =	sshll.u32 s27, $0x1;
	_ =	strace $0x80000046;
	[dreg:$0x1] =	wrdreg $0xFFFFFFFF  }
0x1f: {  	s28 =	simm.s32 $_size_execute0_lowered;
	s3 =	sadd.s32 s3, s5;
	[dreg:$0x0] =	wrdreg $0x0  }
0x20: {  	s5 =	sshll.u32 s28, $0x1;
	[dreg:$0x2] =	wrdreg s3  }
0x21: {  	[dreg:$0x3] =	wrdreg s5  }
0x22: {  	[dreg:$0x4] =	wrdreg $0xC0  }
0x23: {  	_ =	task [dreg:s7], $0x5FFFF  }
0x24: {  	[dreg:$0x1] =	wrdreg $0xFFFFFFFF  }
0x25: {  	[dreg:$0x0] =	wrdreg $0x60  }
0x26: {  	[dreg:$0x2] =	wrdreg s2  }
0x27: {  	[dreg:$0x3] =	wrdreg s25  }
0x28: {  	[dreg:$0x4] =	wrdreg $0x9  }
0x29: {  	_ =	task.clear_ibuf [dreg:s7], $0x5FFFF;
	_ =	strace $0x90000046  }
0x2a: {  	s29 =	simm.s32 $0x9;
	_ =	strace $0x80000048  }
0x2b: {  	_ =	swait.ge [sflag:s29], $0x1  }
0x2c: {  	[sflag:s29] =	ssyncadd.s32 $0xFFFFFFFF  }
0x2d: {  	_ =	strace $0x90000048  }
0x2e: {  	_ =	sfence  }
0x2f: {  	s30 =	sld [smem:$0x0];
	_ =	sdelay $0x2  }
0x30: {  	s31 =	sshll.u32 s1, $0xD;
	s1 =	sshrl.u32 s1, $0x2  }
0x31: {  	s3 =	sand.u32 $0x4000, s31;
	s1 =	sadd.s32 s1, s30  }
0x32: {  	s0 =	sor.u32 s3, s0;
	s1 =	sshll.u32 s1, $0x11  }
0x33: {  	s0 =	sor.u32 s1, s0  }
0x34: {  	s0 =	sadd.s32 $0x8F2B, s0  }
0x35: {  	[sflag:s0] =	ssyncadd.remote.s32 $0x1  }
0x36: {  	_ =	sfence.sel $0xFFFF  }
0x37: {  	[dreg:$0x0] =	wrdreg $0xFFFFFFFF;
	(pc) =	sbr.abs _section_cstart, $3  }
0x38: {  	[dreg:$0x1] =	wrdreg $0xFFFFFFFF  }
0x39: {  	_ =	task.clear_ibuf [dreg:s7], $0x2FFFF;
	_ =	strace $0x9FFFFFFF  }
0x3a: {  	(tm) =	ssettm $0x7FFFFFFF  }
0x3b: {  	_ =	shalt  }
tec
execute0_lowered:
.L_overlay_start_1:
0x0: {  	(tag) =	ssettag $0x1  }
0x1: {  	s0 =	srdreg.scid;
	s2 =	rddreg [dreg:$0x0]  }
0x2: {  	s5 =	rddreg [dreg:$0x1];
	s1 =	stileid.u32  }
0x3: {  	s4 =	simm.s32 $0x1;
	s6 =	simm.s32 $0x2;
	s15 =	simm.s32 $0x0  }
0x4: {  	p0 =	por $0x0, $0x0;
	s8 =	simm.s32 $0x80;
	s0 =	sshll.u32 s0, $0x4  }
0x5: {  	s14 =	simm.s32 $0x0;
	s9 =	simm.s32 $0x0;
	s3 =	sand.u32 $0x10, s0  }
.Ltmp0:
0x6: {  	s10 =	simm.s32 $0x0;
	s3 =	sor.u32 s1, s3;
	(pc) =	sbr.rel .LBB1_1-.Ltmp0, $4  }
0x7: {  	s0 =	rddreg [dreg:$0x2];
	_ =	strace $0x80000047;
	s3 =	sshll.u32 s3, $0x7  }
0x8: {  	s12 =	simm.s32 $0x0;
	[sflag:s4] =	ssyncpa.u1 $0x0;
	s7 =	ssub.s32 $0xF4200, s3  }
0x9: {  	s13 =	simm.s32 $0x0;
	[sflag:s6] =	ssyncpa.u1 $0x0;
	s6 =	sshrl.u32 s7, $0xC  }
0xa: {  	s5 =	sadd.s32 $0xE00, s5;
	s11 =	smov.u32 s3;
	s7 =	sadd.s32 $0x2, s6  }
.LBB1_5:
0xb: {  	p1 =	slt.u32 s13, $0x2  }
0xc: {  	s17 =	smov.u32 s15;
	p2 =	sgt.s32 @!p1 s15, $0xF41C0;
	s16 =	sshra.s32 @!p1 s15, $0x1F  }
0xd: {  	p3 =	sgt.s32 @!p1 s14, $0x40;
	s18 =	sshra.s32 @!p1 s14, $0x1F;
	p2 =	por !p2, p1  }
0xe: {  	s15 =	sand.u32 @!p1 s16, s15;
	p3 =	por !p3, p1;
	s16 =	smov.u32 s14  }
0xf: {  	s14 =	sand.u32 @!p1 s18, s14;
	s17 =	simm.s32 @p2 $0xF41C0;
	s16 =	simm.s32 @p3 $0x40  }
0x10: {  	s15 =	ssub.s32 @!p1 s17, s15;
	s14 =	ssub.s32 @!p1 s16, s14  }
0x11: {  	s18 =	smov.u32 s12;
	s16 =	sadd.s32 @!p1 $0xFFF0BE40, s15;
	s17 =	sadd.s32 @!p1 $0xFFFFFFC0, s14  }
0x12: {  	s15 =	ssub.s32 @!p1 $0xF4240, s15;
	p2 =	sgt.s32 @!p1 s16, $0x7F;
	p3 =	sgt.s32 @!p1 s17, $0x3F  }
0x13: {  	s14 =	ssub.s32 @!p1 $0x80, s14;
	p2 =	por !p2, p1;
	p3 =	por !p3, p1  }
0x14: {  	s16 =	sadd.s32 $0x1000, s11;
	s15 =	simm.s32 @!p2 $0x0;
	s14 =	simm.s32 @!p3 $0x0  }
0x15: {  	p2 =	sgt.s32 s16, $0xF423F;
	s14 =	smul.u32 @!p1 s14, s15;
	s15 =	sadd.s32 $0x40, s12  }
0x16: {  	s18 =	smov.u32 @p2 s15  }
0x17: {  	s16 =	smov.u32 @p2 s3;
	p2 =	sgt.s32 s18, $0x3F  }
0x18: {  	s18 =	simm.s32 @p2 $0x0;
	p2 =	sne.s32 s13, s7  }
.Ltmp1:
0x19: {  	p0 =	por !p0, !p0;
	s17 =	simm.s32 @!p1 $0x2;
	(pc) =	sbr.rel @!p2 .LBB1_6-.Ltmp1, $4  }
0x1a: {  	s15 =	smov.u32 s9;
	s9 =	smov.u32 s11;
	s14 =	sand.u32 @!p1 $0x3FFFFFFF, s14  }
0x1b: {  	s11 =	smov.u32 s16;
	_ =	swait.ge @!p1 [sflag:s17], s14;
	s19 =	ssub.s32 @!p1 $0x0, s14  }
0x1c: {  	s14 =	smov.u32 s10;
	s13 =	sadd.s32 $0x1, s13;
	[sflag:s17] =	ssyncset.done @!p1 $0x0  }
0x1d: {  	s10 =	smov.u32 s12;
	s12 =	smov.u32 s18;
	[sflag:s17] =	ssyncadd.s32 @!p1 s19  }
.LBB1_1:
0x1e: {  	p1 =	sgt.u32 s13, s6  }
0x1f: {  	s16 =	sshrl.u32 @!p1 s12, $0x3  }
0x20: {  	s17 =	sshll.u32 @!p1 s11, $0x3;
	s16 =	smul.u32 @!p1 $0x7A1400, s16  }
0x21: {  	s18 =	sshll.u32 @!p1 s12, $0x7;
	s17 =	sand.u32 @!p1 $0xFFFFFC00, s17  }
0x22: {  	s16 =	sadd.s32 @!p1 s16, s17;
	s17 =	sand.u32 @!p1 $0x380, s18  }
0x23: {  	s18 =	sand.u32 @!p1 $0x7F, s11;
	s16 =	sor.u32 @!p1 s17, s16  }
0x24: {  	s17 =	sor.u32 @!p1 s18, s16  }
0x25: {  	s18 =	smulhi.u32 @!p1 $0x218D6287, s17;
	_ =	sdelay $0x1  }
0x26: {  	s16 =	smulhi.u32 @!p1 $0x218D6287, s16;
	s18 =	sshrl.u32 @!p1 s18, $0x11  }
0x27: {  	s18 =	smul.u32 @!p1 $0xF4280, s18  }
0x28: {  	s19 =	sxor.u32 @!p1 $0xFFFFFFFF, s13;
	s16 =	sshrl.u32 @!p1 s16, $0x11  }
0x29: {  	s19 =	sshll.u32 @!p1 s19, $0xD;
	s16 =	sand.u32 @!p1 $0x3F, s16;
	s17 =	ssub.s32 @!p1 s17, s18  }
0x2a: {  	s16 =	smul.u32 @!p1 $0x1E850, s16;
	s18 =	sshrl.u32 @!p1 s17, $0x3;
	s17 =	sand.u32 @!p1 $0x7, s17  }
0x2b: {  	s19 =	sand.u32 @!p1 $0x2000, s19;
	s18 =	sadd.s32 @!p1 s2, s18;
	s17 =	sshll.u32 @!p1 s17, $0x12  }
0x2c: {  	s16 =	sadd.s32 @!p1 s16, s18;
	s17 =	sor.u32 @!p1 $0x400, s17;
	s18 =	simm.s32 @!p1 $0x7A1400  }
0x2d: {  	[tilespmem:s19], [sflag:$0x1] =	stream.strided.gather @!p1 [hbm4b:s16+s17], $0x2000, s18, s17, $0x38;
	[tilespmem:$0x8100] =	vst v63  }
0x2e: {  	p1 =	seq.s32 s13, $0x0  }
0x2f: {  	p2 =	sge.u32 @!p1 s13, s7  }
0x30: {  	p1 =	por p1, p2  }
.Ltmp2:
0x31: {  	_ = 	snop;
	(pc) =	sbr.rel @p1 .LBB1_5-.Ltmp2, $1  }
0x32: {  	_ =	sdelay $0x3  }
0x33: {  	s16 =	simm.s32 $0x1  }
0x34: {  	_ =	swait.ge [sflag:s4], $0x2000;
	s16 =	simm.s32 @!p0 $0x0  }
0x35: {  	[sflag:s4] =	ssyncset.done $0x0;
	s17 =	sshll.u32 s16, $0xD  }
0x36: {  	[sflag:s4] =	ssyncadd.s32 $0xFFFFE000;
	s17 =	sor.u32 $0x40, s17  }
0x37: {  	s16 =	smul.u32 $0x8200, s16;
	v0 =	vld [tilespmem:s17+$0x30]  }
0x38: {  	v1 =	vld [tilespmem:s17+$0xFFFFFFD0]  }
0x39: {  	s16 =	sshrl.u32 s16, $0x2;
	v5 =	vld [tilespmem:s17+$0xFFFFFFE0]  }
0x3a: {  	v6 =	vld [tilespmem:s17+$0xFFFFFFF0];
	s19 =	sor.u32 $0x4000, s16  }
0x3b: {  	s31 =	sand.u32 $0x1, s13;
	v4 =	vld [tilespmem:s17+$0x0];
	s18 =	sadd.s32 $0x0, s19  }
0x3c: {  	v3 =	vld [tilespmem:s17+$0x10];
	s16 =	smul.u32 $0x8200, s31;
	[tilespmem:s18+$0x1C70 ss:$0x41] =	vst.msk $0xffff, v0  }
0x3d: {  	v2 =	vld [tilespmem:s17+$0x20];
	[tilespmem:s18+$0x410 ss:$0x41] =	vst.msk $0xffff, v1  }
0x3e: {  	s16 =	sshrl.u32 s16, $0x2;
	v1 =	vld [tilespmem:s17+$0xFFFFFFC0];
	[tilespmem:s18+$0x820 ss:$0x41] =	vst.msk $0xffff, v5;
	s17 =	sadd.s32 $0x80, s17  }
0x3f: {  	s20 =	simm.s32 $0x4;
	s21 =	simm.s32 $0x8;
	s16 =	sor.u32 $0x4000, s16;
	[tilespmem:s18+$0xC30 ss:$0x41] =	vst.msk $0xffff, v6;
	v0 =	vld [tilespmem:s17+$0x30]  }
.LBB1_3:
0x40: {  	p1 =	sne.s32 s21, $0xFC;
	v5 =	vld [tilespmem:s17+$0xFFFFFFD0];
	[tilespmem:s18+$0x1040 ss:$0x41] =	vst.msk $0xffff, v4  }
0x41: {  	v6 =	vld [tilespmem:s17+$0xFFFFFFE0];
	[tilespmem:s18+$0x1450 ss:$0x41] =	vst.msk $0xffff, v3  }
0x42: {  	s22 =	sshra.s32 s20, $0x2;
	s20 =	smov.u32 s21;
	v7 =	vld [tilespmem:s17+$0xFFFFFFF0];
	[tilespmem:s18+$0x1860 ss:$0x41] =	vst.msk $0xffff, v2  }
.Ltmp3:
0x43: {  	v4 =	vld [tilespmem:s17+$0x0];
	[tilespmem:s18+$0x0 ss:$0x41] =	vst.msk $0xffff, v1;
	s18 =	sadd.s32 s22, s19;
	(pc) =	sbr.rel @p1 .LBB1_3-.Ltmp3, $4  }
0x44: {  	v3 =	vld [tilespmem:s17+$0x10];
	[tilespmem:s18+$0x1C70 ss:$0x41] =	vst.msk $0xffff, v0  }
0x45: {  	[tilespmem:s18+$0x410 ss:$0x41] =	vst.msk $0xffff, v5;
	v2 =	vld [tilespmem:s17+$0x20]  }
0x46: {  	v1 =	vld [tilespmem:s17+$0xFFFFFFC0];
	[tilespmem:s18+$0x820 ss:$0x41] =	vst.msk $0xffff, v6;
	s17 =	sadd.s32 $0x80, s17  }
0x47: {  	s21 =	sadd.s32 $0x4, s21;
	v0 =	vld [tilespmem:s17+$0x30];
	[tilespmem:s18+$0xC30 ss:$0x41] =	vst.msk $0xffff, v7  }
0x48: {  	s21 =	sshll.u32 s9, $0x7;
	s22 =	sshll.u32 s10, $0x3;
	s20 =	sshra.s32 s20, $0x2  }
0x49: {  	p1 =	sgt.s32 s9, $0xF41C0;
	s30 =	sshra.s32 s9, $0x1F;
	s25 =	sshra.s32 s10, $0x1F  }
0x4a: {  	v5 =	vld [tilespmem:s17+$0xFFFFFFD0];
	s28 =	sshrl.u32 s10, $0x3;
	s23 =	sand.u32 $0xFFFFFC00, s21;
	s22 =	sand.u32 $0xFFFFFC00, s22  }
0x4b: {  	[tilespmem:s18+$0x1040 ss:$0x41] =	vst.msk $0xffff, v4;
	v58 =	vld [tilespmem:s17+$0xFFFFFFE0];
	s21 =	sand.u32 $0x380, s21;
	s19 =	sadd.s32 s20, s19;
	s22 =	sadd.s32 s22, s23  }
0x4c: {  	v59 =	vld [tilespmem:s17+$0xFFFFFFF0];
	[tilespmem:s18+$0x1450 ss:$0x41] =	vst.msk $0xffff, v3;
	s29 =	sor.u32 s21, s22;
	s21 =	smov.u32 s9;
	s22 =	sand.u32 s30, s9  }
0x4d: {  	v60 =	vld [tilespmem:s17+$0x0];
	[tilespmem:s18+$0x1860 ss:$0x41] =	vst.msk $0xffff, v2;
	s30 =	sand.u32 $0x7, s10;
	s20 =	sshrl.u32 s29, $0x7;
	s21 =	simm.s32 @!p1 $0xF41C0  }
0x4e: {  	v61 =	vld [tilespmem:s17+$0x10];
	[tilespmem:s18+$0x0 ss:$0x41] =	vst.msk $0xffff, v1;
	p1 =	sgt.s32 s10, $0x40;
	s24 =	ssub.s32 s21, s22;
	s21 =	smov.u32 s10  }
0x4f: {  	v62 =	vld [tilespmem:s17+$0x20];
	[tilespmem:s19+$0x1C70 ss:$0x41] =	vst.msk $0xffff, v0;
	s31 =	smulhi.u32 $0x218DEF5, s20;
	s22 =	sand.u32 s25, s10;
	s21 =	simm.s32 @!p1 $0x40  }
0x50: {  	v63 =	vld [tilespmem:s17+$0xFFFFFFC0];
	[tilespmem:s19+$0x410 ss:$0x41] =	vst.msk $0xffff, v5;
	s26 =	sadd.s32 $0xFFF0BE40, s24;
	s17 =	ssub.s32 $0xF4240, s24;
	s21 =	ssub.s32 s21, s22  }
0x51: {  	[tilespmem:s19+$0x820 ss:$0x41] =	vst.msk $0xffff, v58;
	s23 =	sshrl.u32 s31, $0xD;
	p1 =	sgt.s32 s26, $0x7F;
	s27 =	sadd.s32 $0xFFFFFFC0, s21  }
0x52: {  	[tilespmem:s19+$0xC30 ss:$0x41] =	vst.msk $0xffff, v59;
	s23 =	smul.u32 $0xF4240, s23;
	s18 =	ssub.s32 $0x80, s21;
	p2 =	sgt.s32 s27, $0x3F  }
.Ltmp4:
0x53: {  	[tilespmem:s19+$0x1040 ss:$0x41] =	vst.msk $0xffff, v60;
	s17 =	simm.s32 @p1 $0x0;
	s18 =	simm.s32 @p2 $0x0;
	(pc) =	sbr.rel .LBB1_5-.Ltmp4, $4  }
0x54: {  	s29 =	sand.u32 $0xF, s28;
	[tilespmem:s19+$0x1450 ss:$0x41] =	vst.msk $0xffff, v61;
	s20 =	ssub.s32 s20, s23;
	s17 =	smul.u32 s18, s17  }
0x55: {  	[tilespmem:s19+$0x1860 ss:$0x41] =	vst.msk $0xffff, v62;
	s21 =	sshll.u32 s30, $0x12;
	s20 =	sshll.u32 s20, $0x4;
	s18 =	sadd.s32 s5, s29  }
0x56: {  	[tilespmem:s19+$0x0 ss:$0x41] =	vst.msk $0xffff, v63;
	s31 =	sor.u32 $0x40, s21;
	s18 =	sadd.s32 s20, s18;
	s17 =	sand.u32 $0x3FFFFFFF, s17  }
0x57: {  	[hbm4b:s18+s31] =	stream.strided.scatter [tilespmem:s16], [sflag:$0x2], s17, s8, s31, $0x18;
	[tilespmem:$0x8100] =	vst v63  }
.LBB1_6:
0x58: {  	_ =	sfence.sel $0x180000  }
0x59: {  	s2 =	simm.s32 $0x1;
	[bflag:$0x0] =	sbarrier.arrive $0xFFFF  }
0x5a: {  	s31 =	simm.s32 $0x2;
	[sflag:s2] =	ssyncpa.u1 $0x1  }
0x5b: {  	[sflag:s31] =	ssyncpa.u1 $0x1  }
0x5c: {  	p0 =	sne.s32 s1, $0x0;
	_ =	strace $0x90000047  }
0x5d: {  	s0 =	sadd.s32 @!p0 $0x100000, s0;
	[bflag:$0x2] =	sbarrier.arrive $0xFFFF  }
0x5e: {  	[sflag:s0] =	ssyncadd.tile.s32 @!p0 $0x1;
	_ =	shalt  }
.Lfunc_end1:
_tile_overlayer_lowered:
.L_overlay_start_2:
0x5f: {  	(tag) =	ssettag $0x2  }
0x60: {  	s0 =	rddreg [dreg:$0x0];
	s2 =	stileid.u32  }
0x61: {  	s1 =	rddreg [dreg:$0x1];
	p0 =	sne.s32 s2, $0x0  }
0x62: {  	s3 =	rddreg [dreg:$0x2];
	[bflag:$0x3] =	sbarrier.arrive $0xFFFF;
	s2 =	simm.s32 @!p0 $0x1C01  }
0x63: {  	[timem:s3], [sflag:s2] =	dma.local @!p0 [hbm:s0], s1  }
0x64: {  	s0 =	simm.s32 @!p0 $0x1  }
0x65: {  	_ =	swait.ge @!p0 [sflag:s0], s1  }
0x66: {  	s1 =	ssub.s32 @!p0 $0x0, s1;
	[sflag:s0] =	ssyncset.done @!p0 $0x0  }
0x67: {  	[sflag:s0] =	ssyncadd.s32 @!p0 s1  }
0x68: {  	[bflag:$0x3] =	sbarrier.arrive $0xFFFF  }
0x69: {  	_ =	shalt  }

// kernel: sparse-core-data-format-call.cloned.1.call-start
scs
called_computation_lowered:
.L_overlay_start_0:
0x0: {  	s2 =	sld [smem:$0x3FD9]  }
0x1: {  	s3 =	sld [smem:$0x3FFE];
	_ =	sdelay $0x1  }
0x2: {  	s1 =	srdreg.scid  }
0x3: {  	s0 =	sand.u32 $0x1, s1  }
0x4: {  	s18 =	sshll.u32 s0, $0xA;
	s2 =	sadd.s32 s3, s2  }
0x5: {  	s2 =	sadd.s32 s2, s18  }
0x6: {  	[smem:$0x3FC6] =	sst s2  }
0x7: {  	_ = 	snop  }
0x8: {  	s2 =	sld [smem:$0x3FD0];
	(tm) =	ssettm $0x1  }
0x9: {  	s19 =	sld [smem:$0x3FFB];
	_ =	sdelay $0x3  }
0xa: {  	_ =	strace s19  }
0xb: {  	s3 =	sld [smem:$0x3FFC];
	_ =	sdelay $0x3  }
0xc: {  	_ =	strace s3  }
0xd: {  	s3 =	sld [smem:$0x3FFD];
	_ =	sdelay $0x3  }
0xe: {  	_ =	strace s3  }
0xf: {  	_ =	strace $0x8FFFFFFF  }
0x10: {  	s20 =	sld [smem:$0x3FDB];
	_ =	sdelay $0x1  }
0x11: {  	s4 =	simm.s32 $_scs_section_size  }
0x12: {  	s5 =	simm.s32 $_size__tile_overlayer_lowered;
	s6 =	simm.s32 $_tile_overlayer_lowered  }
0x13: {  	s23 =	simm.s32 $0x1BFF;
	s22 =	sshll.u32 s6, $0x1;
	s3 =	sadd.s32 s4, s20  }
0x14: {  	s7 =	simm.s32 $0x0;
	s21 =	sshll.u32 s5, $0x1;
	s5 =	sadd.s32 s22, s3  }
0x15: {  	[timem:s7], [sflag:s23] =	dma.local [hbm:s5], s21  }
0x16: {  	_ =	swait.ge [sflag:s23], s21  }
0x17: {  	s4 =	ssub.s32 $0x0, s21;
	[sflag:s23] =	ssyncset.done $0x0  }
0x18: {  	[sflag:s23] =	ssyncadd.s32 s4;
	_ =	sdelay $0x1  }
0x19: {  	s24 =	simm.s32 $0x1B8B  }
0x1a: {  	_ =	swait.ge [sflag:s24], $0x1  }
0x1b: {  	[sflag:s24] =	ssyncset.done $0x0  }
0x1c: {  	s26 =	simm.s32 $0x1B8E;
	s25 =	sld [smem:$0x3FFE];
	[sflag:s24] =	ssyncadd.s32 $0xFFFFFFFF  }
0x1d: {  	s27 =	simm.s32 $execute0_lowered;
	[smem:$0x3FD2] =	sst s26  }
0x1e: {  	s5 =	sshll.u32 s27, $0x1;
	_ =	strace $0x8000004C;
	[dreg:$0x1] =	wrdreg $0xFFFFFFFF  }
0x1f: {  	s28 =	simm.s32 $_size_execute0_lowered;
	s3 =	sadd.s32 s3, s5;
	[dreg:$0x0] =	wrdreg $0x0  }
0x20: {  	s5 =	sshll.u32 s28, $0x1;
	[dreg:$0x2] =	wrdreg s3  }
0x21: {  	[dreg:$0x3] =	wrdreg s5  }
0x22: {  	[dreg:$0x4] =	wrdreg $0xC0  }
0x23: {  	_ =	task [dreg:s7], $0x5FFFF  }
0x24: {  	[dreg:$0x1] =	wrdreg $0xFFFFFFFF  }
0x25: {  	[dreg:$0x0] =	wrdreg $0x60  }
0x26: {  	[dreg:$0x2] =	wrdreg s25  }
0x27: {  	[dreg:$0x3] =	wrdreg s2  }
0x28: {  	[dreg:$0x4] =	wrdreg $0x9  }
0x29: {  	_ =	task.clear_ibuf [dreg:s7], $0x5FFFF;
	_ =	strace $0x9000004C  }
0x2a: {  	s29 =	simm.s32 $0x9;
	_ =	strace $0x8000004E  }
0x2b: {  	_ =	swait.ge [sflag:s29], $0x1  }
0x2c: {  	[sflag:s29] =	ssyncadd.s32 $0xFFFFFFFF  }
0x2d: {  	_ =	strace $0x9000004E  }
0x2e: {  	_ =	sfence  }
0x2f: {  	s30 =	sld [smem:$0x0];
	_ =	sdelay $0x2  }
0x30: {  	s31 =	sshll.u32 s1, $0xD;
	s1 =	sshrl.u32 s1, $0x2  }
0x31: {  	s3 =	sand.u32 $0x4000, s31;
	s1 =	sadd.s32 s1, s30  }
0x32: {  	s0 =	sor.u32 s3, s0;
	s1 =	sshll.u32 s1, $0x11  }
0x33: {  	s0 =	sor.u32 s1, s0  }
0x34: {  	s0 =	sadd.s32 $0x8F2B, s0  }
0x35: {  	[sflag:s0] =	ssyncadd.remote.s32 $0x1  }
0x36: {  	_ =	sfence.sel $0xFFFF  }
0x37: {  	[dreg:$0x0] =	wrdreg $0xFFFFFFFF;
	(pc) =	sbr.abs _section_cstart, $3  }
0x38: {  	[dreg:$0x1] =	wrdreg $0xFFFFFFFF  }
0x39: {  	_ =	task.clear_ibuf [dreg:s7], $0x2FFFF;
	_ =	strace $0x9FFFFFFF  }
0x3a: {  	(tm) =	ssettm $0x7FFFFFFF  }
0x3b: {  	_ =	shalt  }
tec
execute0_lowered:
.L_overlay_start_1:
0x0: {  	(tag) =	ssettag $0x1  }
0x1: {  	s0 =	srdreg.scid  }
0x2: {  	s1 =	sshll.u32 s0, $0x4  }
0x3: {  	s0 =	stileid.u32;
	s1 =	sand.u32 $0x10, s1  }
0x4: {  	s1 =	sor.u32 s0, s1  }
0x5: {  	s6 =	rddreg [dreg:$0x0];
	s4 =	simm.s32 $0x1;
	s2 =	sshll.u32 s1, $0x7  }
0x6: {  	s7 =	simm.s32 $0x2;
	s12 =	simm.s32 $0x0;
	s1 =	ssub.s32 $0x1000, s2  }
0x7: {  	s8 =	simm.s32 $0x8000;
	s13 =	simm.s32 $0x0;
	s3 =	sand.u32 $0xF80, s1  }
0x8: {  	s9 =	simm.s32 $0x0;
	s5 =	sshrl.u32 s1, $0xC;
	p0 =	sne.s32 s3, $0x0  }
.Ltmp0:
0x9: {  	s1 =	rddreg [dreg:$0x2];
	s4 =	simm.s32 @!p0 $0x0;
	(pc) =	sbr.rel .LBB1_1-.Ltmp0, $4  }
0xa: {  	s11 =	simm.s32 $0x0;
	s3 =	rddreg [dreg:$0x1];
	s5 =	sadd.s32 s4, s5  }
0xb: {  	_ =	strace $0x8000004D;
	s4 =	simm.s32 $0x1;
	s5 =	smul.u32 $0xC8, s5  }
0xc: {  	s6 =	sadd.s32 $0xE00, s6;
	s10 =	smov.u32 s2;
	[sflag:s4] =	ssyncpa.u1 $0x0  }
0xd: {  	p0 =	por $0x0, $0x0;
	[sflag:s7] =	ssyncpa.u1 $0x0;
	s7 =	sor.u32 $0x1, s5  }
.LBB1_4:
0xe: {  	s16 =	sshll.u32 s13, $0x3;
	s17 =	sand.u32 $0x78, s13  }
0xf: {  	s30 =	sand.u32 $0x7E00, s13;
	s12 =	sshll.u32 s12, $0xF;
	s16 =	sand.u32 $0xC00, s16  }
0x10: {  	[tilespmem:s15+$0x810 ss:$0x81] =	vst.msk $0xffff, v2;
	s31 =	sand.u32 $0x7, s13;
	s16 =	sor.u32 s17, s16;
	s17 =	sadd.s32 s3, s30  }
0x11: {  	[tilespmem:s15+$0x1020 ss:$0x81] =	vst.msk $0xffff, v0;
	s13 =	sshll.u32 s31, $0x12;
	s12 =	sadd.s32 s12, s17;
	s16 =	sshrl.u32 s16, $0x3  }
0x12: {  	[tilespmem:s15+$0x0 ss:$0x81] =	vst.msk $0xffff, v1;
	s13 =	sor.u32 $0x400, s13;
	s12 =	sadd.s32 s16, s12  }
0x13: {  	[hbm4b:s12+s13] =	stream.strided.scatter [tilespmem:s14], [sflag:$0x2], $0x2000, s8, s13, $0x20;
	[tilespmem:$0x8080] =	vst v63  }
.LBB1_5:
0x14: {  	s14 =	sadd.s32 $0x1, s9  }
0x15: {  	s12 =	sadd.s32 $0x1000, s10;
	s16 =	smov.u32 s10;
	p2 =	sgt.s32 s14, $0xC7  }
0x16: {  	s16 =	smov.u32 @p2 s12  }
0x17: {  	s14 =	simm.s32 @p2 $0x0;
	p2 =	sgt.s32 s16, $0xFFF  }
0x18: {  	s16 =	smov.u32 @p2 s2;
	p2 =	sne.s32 s11, s7  }
.Ltmp1:
0x19: {  	p1 =	slt.u32 s11, $0x2;
	(pc) =	sbr.rel @!p2 .LBB1_6-.Ltmp1, $4  }
0x1a: {  	s15 =	simm.s32 @!p1 $0x2  }
0x1b: {  	s13 =	smov.u32 s10;
	p0 =	por !p0, !p0;
	_ =	swait.ge @!p1 [sflag:s15], $0x2000  }
0x1c: {  	s12 =	smov.u32 s9;
	[sflag:s15] =	ssyncset.done @!p1 $0x0;
	s9 =	smov.u32 s14  }
0x1d: {  	s11 =	sadd.s32 $0x1, s11;
	[sflag:s15] =	ssyncadd.s32 @!p1 $0xFFFFE000;
	s10 =	smov.u32 s16  }
.LBB1_1:
0x1e: {  	p1 =	sge.u32 s11, s5  }
0x1f: {  	s14 =	sand.u32 @!p1 $0x1FFFFFF, s9  }
0x20: {  	s15 =	smulhi.u32 @!p1 $0x147AE15, s14;
	_ =	sdelay $0x1  }
0x21: {  	s15 =	smul.u32 @!p1 $0xC8, s15  }
0x22: {  	s16 =	sxor.u32 @!p1 $0xFFFFFFFF, s11;
	s17 =	smul.u32 @!p1 $0xC80, s10  }
0x23: {  	s31 =	sadd.s32 $0xFFFFFFFF, s11;
	s16 =	sshll.u32 @!p1 s16, $0xD;
	s14 =	ssub.s32 @!p1 s14, s15  }
0x24: {  	s15 =	sand.u32 @!p1 $0x2000, s16;
	s16 =	sadd.s32 @!p1 s6, s17;
	s14 =	sshll.u32 @!p1 s14, $0x4  }
0x25: {  	s17 =	simm.s32 @!p1 $0x6400;
	s14 =	sadd.s32 @!p1 s14, s16;
	s16 =	simm.s32 @!p1 $0x40  }
0x26: {  	[tilespmem:s15], [sflag:$0x1] =	stream.strided.gather @!p1 [hbm4b:s14+s16], $0x2000, s17, s16, $0x38;
	[tilespmem:$0x8080] =	vst v63  }
0x27: {  	p1 =	sge.u32 s31, s5  }
.Ltmp2:
0x28: {  	_ = 	snop;
	(pc) =	sbr.rel @p1 .LBB1_5-.Ltmp2, $1  }
0x29: {  	_ =	sdelay $0x3  }
0x2a: {  	s14 =	simm.s32 $0x1  }
0x2b: {  	_ =	swait.ge [sflag:s4], $0x2000;
	s14 =	simm.s32 @!p0 $0x0  }
0x2c: {  	[sflag:s4] =	ssyncset.done $0x0;
	s15 =	sshll.u32 s14, $0xD  }
0x2d: {  	[sflag:s4] =	ssyncadd.s32 $0xFFFFE000;
	s18 =	sor.u32 $0x20, s15  }
0x2e: {  	s14 =	smul.u32 $0x8100, s14;
	v3 =	vld [tilespmem:s18+$0x10]  }
0x2f: {  	s30 =	sand.u32 $0x1, s11;
	v2 =	vld [tilespmem:s18+$0xFFFFFFF0]  }
0x30: {  	s15 =	smul.u32 $0x8100, s30;
	s14 =	sshrl.u32 s14, $0x2;
	v0 =	vld [tilespmem:s18+$0x0]  }
0x31: {  	v1 =	vld [tilespmem:s18+$0xFFFFFFE0];
	s16 =	sor.u32 $0x4000, s14  }
0x32: {  	s31 =	sshrl.u32 s15, $0x2;
	s15 =	sadd.s32 $0x0, s16  }
0x33: {  	s17 =	simm.s32 $0x4;
	s18 =	sadd.s32 $0x40, s18;
	s14 =	sor.u32 $0x4000, s31;
	[tilespmem:s15+$0x1830 ss:$0x81] =	vst.msk $0xffff, v3  }
.LBB1_3:
0x34: {  	v3 =	vld [tilespmem:s18+$0x10];
	p1 =	sne.s32 s17, $0x1FC;
	[tilespmem:s15+$0x810 ss:$0x81] =	vst.msk $0xffff, v2;
	s19 =	smov.u32 s17;
	s17 =	sadd.s32 $0x4, s17  }
.Ltmp3:
0x35: {  	v2 =	vld [tilespmem:s18+$0xFFFFFFF0];
	[tilespmem:s15+$0x1020 ss:$0x81] =	vst.msk $0xffff, v0;
	(pc) =	sbr.rel @p1 .LBB1_3-.Ltmp3, $4  }
0x36: {  	v0 =	vld [tilespmem:s18+$0x0];
	[tilespmem:s15+$0x0 ss:$0x81] =	vst.msk $0xffff, v1  }
0x37: {  	s15 =	sshra.s32 s19, $0x2;
	v1 =	vld [tilespmem:s18+$0xFFFFFFE0]  }
0x38: {  	s15 =	sadd.s32 s15, s16  }
0x39: {  	s18 =	sadd.s32 $0x40, s18;
	[tilespmem:s15+$0x1830 ss:$0x81] =	vst.msk $0xffff, v3  }
.Ltmp4:
0x3a: {  	_ = 	snop;
	(pc) =	sbr.rel .LBB1_4-.Ltmp4, $1  }
0x3b: {  	_ =	sdelay $0x3  }
.LBB1_6:
0x3c: {  	_ =	sfence.sel $0x180000  }
0x3d: {  	s2 =	simm.s32 $0x1;
	[bflag:$0x0] =	sbarrier.arrive $0xFFFF  }
0x3e: {  	s31 =	simm.s32 $0x2;
	[sflag:s2] =	ssyncpa.u1 $0x1  }
0x3f: {  	[sflag:s31] =	ssyncpa.u1 $0x1  }
0x40: {  	p0 =	sne.s32 s0, $0x0;
	_ =	strace $0x9000004D  }
0x41: {  	s0 =	sadd.s32 @!p0 $0x100000, s1;
	[bflag:$0x2] =	sbarrier.arrive $0xFFFF  }
0x42: {  	[sflag:s0] =	ssyncadd.tile.s32 @!p0 $0x1;
	_ =	shalt  }
.Lfunc_end1:
_tile_overlayer_lowered:
.L_overlay_start_2:
0x43: {  	(tag) =	ssettag $0x2  }
0x44: {  	s0 =	rddreg [dreg:$0x0];
	s2 =	stileid.u32  }
0x45: {  	s1 =	rddreg [dreg:$0x1];
	p0 =	sne.s32 s2, $0x0  }
0x46: {  	s3 =	rddreg [dreg:$0x2];
	[bflag:$0x3] =	sbarrier.arrive $0xFFFF;
	s2 =	simm.s32 @!p0 $0x1C01  }
0x47: {  	[timem:s3], [sflag:s2] =	dma.local @!p0 [hbm:s0], s1  }
0x48: {  	s0 =	simm.s32 @!p0 $0x1  }
0x49: {  	_ =	swait.ge @!p0 [sflag:s0], s1  }
0x4a: {  	s1 =	ssub.s32 @!p0 $0x0, s1;
	[sflag:s0] =	ssyncset.done @!p0 $0x0  }
0x4b: {  	[sflag:s0] =	ssyncadd.s32 @!p0 s1  }
0x4c: {  	[bflag:$0x3] =	sbarrier.arrive $0xFFFF  }
0x4d: {  	_ =	shalt  }

</sc_bundles>
